<compile_context>
chip_gen: v7x
topology: tpu7x:2x2x1
jax: 0.10.2.dev20260603
libtpu: 0.0.44.dev20260713+nightly
codegen_flags: <defaults>
</compile_context>

<pallas_src>
import functools

import jax
import jax.numpy as jnp
from jax import lax
from jax.experimental import pallas as pl
from jax.experimental.pallas import tpu as pltpu
from jax.experimental.pallas import tpu_sc as plsc

_N = 100000
_D = 128
_NSEG = 2048

_ROWS = 25600
_GRID = -(-_N // _ROWS)

_NW = 32
_CHUNK = 3136
_LAST = _N - (_NW - 1) * _CHUNK
_L = 16


def _mlp_body(e_ref, w1_ref, b1_ref, w2_ref, b2_ref, out_ref):
    h = jnp.dot(e_ref[...], w1_ref[...], preferred_element_type=jnp.float32)
    h = h + b1_ref[...]
    h = h * jax.nn.sigmoid(h)
    s2 = lax.dot_general(
        w2_ref[...], h, (((1,), (1,)), ((), ())),
        preferred_element_type=jnp.float32,
    )
    out_ref[...] = s2[0] + b2_ref[0, 0]


def _mlp(energy, W1, b1, W2, b2):
    return pl.pallas_call(
        _mlp_body,
        grid=(_GRID,),
        in_specs=[
            pl.BlockSpec((_ROWS, _D), lambda i: (i, 0)),
            pl.BlockSpec((_D, _D), lambda i: (0, 0)),
            pl.BlockSpec((1, _D), lambda i: (0, 0)),
            pl.BlockSpec((1, _D), lambda i: (0, 0)),
            pl.BlockSpec((1, 1), lambda i: (0, 0)),
        ],
        out_specs=pl.BlockSpec((_ROWS,), lambda i: (i,)),
        out_shape=jax.ShapeDtypeStruct((_N,), jnp.float32),
    )(energy, W1, b1.reshape(1, _D), W2.reshape(1, _D), b2.reshape(1, 1))


_sc_mesh = plsc.VectorSubcoreMesh(core_axis_name="c", subcore_axis_name="s")


@functools.partial(
    pl.kernel,
    mesh=_sc_mesh,
    compiler_params=pltpu.CompilerParams(needs_layout_passes=False),
    out_type=jax.ShapeDtypeStruct((2, _NSEG), jnp.float32),
    scratch_types=[
        pltpu.VMEM((_CHUNK,), jnp.float32),
        pltpu.VMEM((_CHUNK,), jnp.int32),
        pltpu.VMEM((_NSEG,), jnp.float32),
        pltpu.VMEM((16, 128), jnp.float32),
        pltpu.VMEM((128,), jnp.float32),
        pltpu.VMEM_SHARED((16, _NSEG), jnp.float32),
        pltpu.SemaphoreType.DMA,
        pltpu.SemaphoreType.DMA,
    ],
)
def _segsum(s_hbm, b_hbm, out_hbm, vals, idx, acc, red, res, shared,
            sem_v, sem_i):
    cid = lax.axis_index("c")
    sid = lax.axis_index("s")
    wid = sid * 2 + cid
    base = wid * _CHUNK

    is_last = wid == _NW - 1

    @pl.when(jnp.logical_not(is_last))
    def _():
        pltpu.async_copy(s_hbm.at[pl.ds(base, _CHUNK)], vals, sem_v)
        pltpu.async_copy(b_hbm.at[pl.ds(base, _CHUNK)], idx, sem_i)

    @pl.when(is_last)
    def _():
        pltpu.async_copy(s_hbm.at[pl.ds(base, _LAST)],
                         vals.at[pl.ds(0, _LAST)], sem_v)
        pltpu.async_copy(b_hbm.at[pl.ds(base, _LAST)],
                         idx.at[pl.ds(0, _LAST)], sem_i)

    zero = jnp.zeros((_L,), jnp.float32)

    def zbody(i, _):
        acc[pl.ds(i * _L, _L)] = zero
        return 0

    lax.fori_loop(0, _NSEG // _L, zbody, 0, unroll=8)

    @pl.when(jnp.logical_not(is_last))
    def _():
        pltpu.make_async_copy(s_hbm.at[pl.ds(base, _CHUNK)], vals,
                              sem_v).wait()
        pltpu.make_async_copy(b_hbm.at[pl.ds(base, _CHUNK)], idx,
                              sem_i).wait()

    @pl.when(is_last)
    def _():
        pltpu.make_async_copy(s_hbm.at[pl.ds(base, _LAST)],
                              vals.at[pl.ds(0, _LAST)], sem_v).wait()
        pltpu.make_async_copy(b_hbm.at[pl.ds(base, _LAST)],
                              idx.at[pl.ds(0, _LAST)], sem_i).wait()

    def body(i, _):
        b = idx[pl.ds(i * _L, _L)]
        v = vals[pl.ds(i * _L, _L)]
        plsc.addupdate_scatter(acc, [b], v)
        return 0

    lax.fori_loop(0, _LAST // _L, body, 0, unroll=8)

    @pl.when(jnp.logical_not(is_last))
    def _():
        lax.fori_loop(_LAST // _L, _CHUNK // _L, body, 0, unroll=8)

    pltpu.sync_copy(acc, shared.at[sid])
    plsc.subcore_barrier()

    col = sid * 128
    pltpu.sync_copy(shared.at[:, pl.ds(col, 128)], red)
    for cchunk in range(128 // _L):
        v = red[0, pl.ds(cchunk * _L, _L)]
        for r in range(1, 16):
            v = v + red[r, pl.ds(cchunk * _L, _L)]
        res[pl.ds(cchunk * _L, _L)] = v

    pltpu.sync_copy(res, out_hbm.at[cid, pl.ds(col, 128)])


def kernel(energy, batch, W1, b1, W2, b2):
    s = _mlp(energy, W1, b1, W2, b2)
    parts = _segsum(s, batch)
    return parts[0] + parts[1]

# --- scband reference (transcript-rebuilt; emitter-appended) ---
"""Pipeline reference for scband-graph-scalar-output-head-22789096472770 (READ-ONLY COPY).

The authoritative reference and input builder live on the scoring server;
editing this copy changes nothing except your own understanding.
"""

import jax, jax.numpy as jnp
import numpy as np

N_NODES = 100000
D_MODEL = 128
N_SEG = 2048

def setup_inputs(seed: int = 0) -> dict:
    key = jax.random.key(seed)
    k1, k2, k3, k4 = jax.random.split(key, 4)
    energy = jax.random.normal(k1, (N_NODES, D_MODEL), dtype=jnp.float32)
    batch = jnp.sort(jax.random.randint(k2, (N_NODES,), 0, N_SEG)).astype(jnp.int32)
    # MLP([d_model, d_model, 1]) -> Linear(128,128), act, Linear(128,1)
    W1 = jax.random.normal(k3, (D_MODEL, D_MODEL), dtype=jnp.float32) * (1.0 / np.sqrt(D_MODEL))
    b1 = jnp.zeros((D_MODEL,), dtype=jnp.float32)
    W2 = jax.random.normal(k4, (D_MODEL, 1), dtype=jnp.float32) * (1.0 / np.sqrt(D_MODEL))
    b2 = jnp.zeros((1,), dtype=jnp.float32)
    return {"energy": energy, "batch": batch, "W1": W1, "b1": b1, "W2": W2, "b2": b2}

def reference(energy, batch, W1, b1, W2, b2):
    # out_mlp: Linear -> SiLU -> Linear, producing per-node scalar [N, 1]
    h = jax.nn.silu(energy @ W1 + b1)
    out = h @ W2 + b2  # [N, 1]
    # scatter(output, data.batch, dim=0, dim_size=n_molecules, reduce='sum')
    pooled = jax.ops.segment_sum(out, batch, num_segments=N_SEG)  # [B, 1]
    # rearrange 'b 1 -> b'
    return pooled[:, 0]

if __name__ == "__main__":
    import jax
    _d = setup_inputs()
    print(jax.jit(kernel)(*tuple(_d.values())))

</pallas_src>

<mosaic_0001>
#map = affine_map<(d0, d1) -> (0)>
#map1 = affine_map<(d0, d1) -> (0, 0)>
module attributes {stable_mosaic.version = 14 : i64} {
  func.func @_segsum(%arg0: i32, %arg1: i32, %arg2: memref<100000xf32, #tpu.memory_space<hbm>>, %arg3: memref<100000xi32, #tpu.memory_space<hbm>>, %arg4: memref<2x2048xf32, #tpu.memory_space<hbm>>, %arg5: memref<3136xf32, #tpu.memory_space<vmem>>, %arg6: memref<3136xi32, #tpu.memory_space<vmem>>, %arg7: memref<2048xf32, #tpu.memory_space<vmem>>, %arg8: memref<16x128xf32, #tpu.memory_space<vmem>>, %arg9: memref<128xf32, #tpu.memory_space<vmem>>, %arg10: memref<16x2048xf32, #tpu.memory_space<vmem_shared>>, %arg11: memref<!tpu.dma_semaphore, #tpu.memory_space<semaphore_mem>>, %arg12: memref<!tpu.dma_semaphore, #tpu.memory_space<semaphore_mem>>) attributes {dimension_semantics = [#tpu.dimension_semantics<core_parallel>, #tpu.dimension_semantics<subcore_parallel>], iteration_bounds = array<i64: 2, 16>, scalar_prefetch = 0 : i64, scratch_operands = 8 : i64, tpu.core_type = #tpu.core_type<sc_vector_subcore>, window_params = [{transform_indices = #map}, {transform_indices = #map}, {transform_indices = #map1}]} {
    %mul3A = arith.constant 2 : i32
    %mul3A_0 = arith.muli %arg1, %mul3A : i32
    %add3A = arith.addi %mul3A_0, %arg0 : i32
    %mul3A_1 = arith.constant 3136 : i32
    %mul3A_2 = arith.muli %add3A, %mul3A_1 : i32
    %eq3A = arith.constant 31 : i32
    %eq3A_3 = arith.cmpi eq, %add3A, %eq3A : i32
    %not3A = arith.constant true
    %not3A_4 = arith.xori %eq3A_3, %not3A : i1
    %convert_element_type3A = arith.extui %not3A_4 : i1 to i32
    %cond3A = arith.constant 0 : i32
    %cond3A_5 = arith.cmpi ne, %convert_element_type3A, %cond3A : i32
    scf.if %cond3A_5 {
      %dma_start3A = tpu.memref_slice %arg2[%mul3A_2] : memref<100000xf32, #tpu.memory_space<hbm>> -> memref<3136xf32, #tpu.memory_space<hbm>>
      %dma_start3A_750 = tpu.memref_slice %arg2[%mul3A_2] : memref<100000xf32, #tpu.memory_space<hbm>> -> memref<3136xf32, #tpu.memory_space<hbm>>
      tpu.enqueue_dma source(%dma_start3A_750 : memref<3136xf32, #tpu.memory_space<hbm>>) target(%arg5 : memref<3136xf32, #tpu.memory_space<vmem>>) target_semaphore(%arg11 : memref<!tpu.dma_semaphore, #tpu.memory_space<semaphore_mem>>)
      %dma_start3A_751 = tpu.memref_slice %arg3[%mul3A_2] : memref<100000xi32, #tpu.memory_space<hbm>> -> memref<3136xi32, #tpu.memory_space<hbm>>
      %dma_start3A_752 = tpu.memref_slice %arg3[%mul3A_2] : memref<100000xi32, #tpu.memory_space<hbm>> -> memref<3136xi32, #tpu.memory_space<hbm>>
      tpu.enqueue_dma source(%dma_start3A_752 : memref<3136xi32, #tpu.memory_space<hbm>>) target(%arg6 : memref<3136xi32, #tpu.memory_space<vmem>>) target_semaphore(%arg12 : memref<!tpu.dma_semaphore, #tpu.memory_space<semaphore_mem>>)
    } else {
    }
    %convert_element_type3A_6 = arith.extui %eq3A_3 : i1 to i32
    %cond3A_7 = arith.constant 0 : i32
    %cond3A_8 = arith.cmpi ne, %convert_element_type3A_6, %cond3A_7 : i32
    scf.if %cond3A_8 {
      %dma_start3A = arith.constant 0 : i32
      %dma_start3A_750 = tpu.memref_slice %arg5[%dma_start3A] : memref<3136xf32, #tpu.memory_space<vmem>> -> memref<2784xf32, #tpu.memory_space<vmem>>
      %dma_start3A_751 = tpu.memref_slice %arg2[%mul3A_2] : memref<100000xf32, #tpu.memory_space<hbm>> -> memref<2784xf32, #tpu.memory_space<hbm>>
      %dma_start3A_752 = arith.constant 0 : i32
      %dma_start3A_753 = tpu.memref_slice %arg5[%dma_start3A_752] : memref<3136xf32, #tpu.memory_space<vmem>> -> memref<2784xf32, #tpu.memory_space<vmem>>
      %dma_start3A_754 = tpu.memref_slice %arg2[%mul3A_2] : memref<100000xf32, #tpu.memory_space<hbm>> -> memref<2784xf32, #tpu.memory_space<hbm>>
      tpu.enqueue_dma source(%dma_start3A_754 : memref<2784xf32, #tpu.memory_space<hbm>>) target(%dma_start3A_753 : memref<2784xf32, #tpu.memory_space<vmem>>) target_semaphore(%arg11 : memref<!tpu.dma_semaphore, #tpu.memory_space<semaphore_mem>>)
      %dma_start3A_755 = arith.constant 0 : i32
      %dma_start3A_756 = tpu.memref_slice %arg6[%dma_start3A_755] : memref<3136xi32, #tpu.memory_space<vmem>> -> memref<2784xi32, #tpu.memory_space<vmem>>
      %dma_start3A_757 = tpu.memref_slice %arg3[%mul3A_2] : memref<100000xi32, #tpu.memory_space<hbm>> -> memref<2784xi32, #tpu.memory_space<hbm>>
      %dma_start3A_758 = arith.constant 0 : i32
      %dma_start3A_759 = tpu.memref_slice %arg6[%dma_start3A_758] : memref<3136xi32, #tpu.memory_space<vmem>> -> memref<2784xi32, #tpu.memory_space<vmem>>
      %dma_start3A_760 = tpu.memref_slice %arg3[%mul3A_2] : memref<100000xi32, #tpu.memory_space<hbm>> -> memref<2784xi32, #tpu.memory_space<hbm>>
      tpu.enqueue_dma source(%dma_start3A_760 : memref<2784xi32, #tpu.memory_space<hbm>>) target(%dma_start3A_759 : memref<2784xi32, #tpu.memory_space<vmem>>) target_semaphore(%arg12 : memref<!tpu.dma_semaphore, #tpu.memory_space<semaphore_mem>>)
    } else {
    }
    %broadcast_in_dim3A = arith.constant 0.000000e+00 : f32
    %broadcast_in_dim3A_9 = vector.broadcast %broadcast_in_dim3A : f32 to vector<16xf32>
    %scan3A = arith.constant 0 : i32
    %scan3A_10 = arith.constant 0 : i32
    %scan3A_11 = arith.constant 128 : i32
    %scan3A_12 = arith.addi %scan3A_10, %scan3A_11 : i32
    %scan3A_13 = arith.constant 8 : i32
    %scan3A_14 = scf.for %scan3A_750 = %scan3A_10 to %scan3A_12 step %scan3A_13 iter_args(%scan3A_751 = %scan3A) -> (i32)  : i32 {
      %mul3A_752 = arith.constant 16 : i32
      %mul3A_753 = arith.muli %scan3A_750, %mul3A_752 : i32
      %swap3A_754 = arith.index_cast %mul3A_753 : i32 to index
      %swap3A_755 = tpu.vector_load %arg7[%swap3A_754] {strides = array<i32>} : memref<2048xf32, #tpu.memory_space<vmem>>, vector<16xf32>,
      tpu.vector_store %arg7[%swap3A_754], %broadcast_in_dim3A_9 {strides = array<i32>} : memref<2048xf32, #tpu.memory_space<vmem>>, vector<16xf32>,
      %scan3A_756 = arith.constant 0 : i32
      %scan3A_757 = arith.constant 1 : i32
      %scan3A_758 = arith.addi %scan3A_750, %scan3A_757 : i32
      %mul3A_759 = arith.constant 16 : i32
      %mul3A_760 = arith.muli %scan3A_758, %mul3A_759 : i32
      %swap3A_761 = arith.index_cast %mul3A_760 : i32 to index
      %swap3A_762 = tpu.vector_load %arg7[%swap3A_761] {strides = array<i32>} : memref<2048xf32, #tpu.memory_space<vmem>>, vector<16xf32>,
      tpu.vector_store %arg7[%swap3A_761], %broadcast_in_dim3A_9 {strides = array<i32>} : memref<2048xf32, #tpu.memory_space<vmem>>, vector<16xf32>,
      %scan3A_763 = arith.constant 0 : i32
      %scan3A_764 = arith.constant 2 : i32
      %scan3A_765 = arith.addi %scan3A_750, %scan3A_764 : i32
      %mul3A_766 = arith.constant 16 : i32
      %mul3A_767 = arith.muli %scan3A_765, %mul3A_766 : i32
      %swap3A_768 = arith.index_cast %mul3A_767 : i32 to index
      %swap3A_769 = tpu.vector_load %arg7[%swap3A_768] {strides = array<i32>} : memref<2048xf32, #tpu.memory_space<vmem>>, vector<16xf32>,
      tpu.vector_store %arg7[%swap3A_768], %broadcast_in_dim3A_9 {strides = array<i32>} : memref<2048xf32, #tpu.memory_space<vmem>>, vector<16xf32>,
      %scan3A_770 = arith.constant 0 : i32
      %scan3A_771 = arith.constant 3 : i32
      %scan3A_772 = arith.addi %scan3A_750, %scan3A_771 : i32
      %mul3A_773 = arith.constant 16 : i32
      %mul3A_774 = arith.muli %scan3A_772, %mul3A_773 : i32
      %swap3A_775 = arith.index_cast %mul3A_774 : i32 to index
      %swap3A_776 = tpu.vector_load %arg7[%swap3A_775] {strides = array<i32>} : memref<2048xf32, #tpu.memory_space<vmem>>, vector<16xf32>,
      tpu.vector_store %arg7[%swap3A_775], %broadcast_in_dim3A_9 {strides = array<i32>} : memref<2048xf32, #tpu.memory_space<vmem>>, vector<16xf32>,
      %scan3A_777 = arith.constant 0 : i32
      %scan3A_778 = arith.constant 4 : i32
      %scan3A_779 = arith.addi %scan3A_750, %scan3A_778 : i32
      %mul3A_780 = arith.constant 16 : i32
      %mul3A_781 = arith.muli %scan3A_779, %mul3A_780 : i32
      %swap3A_782 = arith.index_cast %mul3A_781 : i32 to index
      %swap3A_783 = tpu.vector_load %arg7[%swap3A_782] {strides = array<i32>} : memref<2048xf32, #tpu.memory_space<vmem>>, vector<16xf32>,
      tpu.vector_store %arg7[%swap3A_782], %broadcast_in_dim3A_9 {strides = array<i32>} : memref<2048xf32, #tpu.memory_space<vmem>>, vector<16xf32>,
      %scan3A_784 = arith.constant 0 : i32
      %scan3A_785 = arith.constant 5 : i32
      %scan3A_786 = arith.addi %scan3A_750, %scan3A_785 : i32
      %mul3A_787 = arith.constant 16 : i32
      %mul3A_788 = arith.muli %scan3A_786, %mul3A_787 : i32
      %swap3A_789 = arith.index_cast %mul3A_788 : i32 to index
      %swap3A_790 = tpu.vector_load %arg7[%swap3A_789] {strides = array<i32>} : memref<2048xf32, #tpu.memory_space<vmem>>, vector<16xf32>,
      tpu.vector_store %arg7[%swap3A_789], %broadcast_in_dim3A_9 {strides = array<i32>} : memref<2048xf32, #tpu.memory_space<vmem>>, vector<16xf32>,
      %scan3A_791 = arith.constant 0 : i32
      %scan3A_792 = arith.constant 6 : i32
      %scan3A_793 = arith.addi %scan3A_750, %scan3A_792 : i32
      %mul3A_794 = arith.constant 16 : i32
      %mul3A_795 = arith.muli %scan3A_793, %mul3A_794 : i32
      %swap3A_796 = arith.index_cast %mul3A_795 : i32 to index
      %swap3A_797 = tpu.vector_load %arg7[%swap3A_796] {strides = array<i32>} : memref<2048xf32, #tpu.memory_space<vmem>>, vector<16xf32>,
      tpu.vector_store %arg7[%swap3A_796], %broadcast_in_dim3A_9 {strides = array<i32>} : memref<2048xf32, #tpu.memory_space<vmem>>, vector<16xf32>,
      %scan3A_798 = arith.constant 0 : i32
      %scan3A_799 = arith.constant 7 : i32
      %scan3A_800 = arith.addi %scan3A_750, %scan3A_799 : i32
      %mul3A_801 = arith.constant 16 : i32
      %mul3A_802 = arith.muli %scan3A_800, %mul3A_801 : i32
      %swap3A_803 = arith.index_cast %mul3A_802 : i32 to index
      %swap3A_804 = tpu.vector_load %arg7[%swap3A_803] {strides = array<i32>} : memref<2048xf32, #tpu.memory_space<vmem>>, vector<16xf32>,
      tpu.vector_store %arg7[%swap3A_803], %broadcast_in_dim3A_9 {strides = array<i32>} : memref<2048xf32, #tpu.memory_space<vmem>>, vector<16xf32>,
      %scan3A_805 = arith.constant 0 : i32
      scf.yield %scan3A_805 : i32
    }
    %scan3A_15 = arith.constant 128 : i32
    %not3A_16 = arith.constant true
    %not3A_17 = arith.xori %eq3A_3, %not3A_16 : i1
    %convert_element_type3A_18 = arith.extui %not3A_17 : i1 to i32
    %cond3A_19 = arith.constant 0 : i32
    %cond3A_20 = arith.cmpi ne, %convert_element_type3A_18, %cond3A_19 : i32
    scf.if %cond3A_20 {
      %dma_wait3A = tpu.memref_slice %arg2[%mul3A_2] : memref<100000xf32, #tpu.memory_space<hbm>> -> memref<3136xf32, #tpu.memory_space<hbm>>
      %dma_wait3A_750 = tpu.memref_slice %arg2[%mul3A_2] : memref<100000xf32, #tpu.memory_space<hbm>> -> memref<3136xf32, #tpu.memory_space<hbm>>
      tpu.wait_dma2 semaphore(%arg11 : memref<!tpu.dma_semaphore, #tpu.memory_space<semaphore_mem>>) src(%dma_wait3A_750 : memref<3136xf32, #tpu.memory_space<hbm>>) dst(%arg5 : memref<3136xf32, #tpu.memory_space<vmem>>)
      %dma_wait3A_751 = tpu.memref_slice %arg3[%mul3A_2] : memref<100000xi32, #tpu.memory_space<hbm>> -> memref<3136xi32, #tpu.memory_space<hbm>>
      %dma_wait3A_752 = tpu.memref_slice %arg3[%mul3A_2] : memref<100000xi32, #tpu.memory_space<hbm>> -> memref<3136xi32, #tpu.memory_space<hbm>>
      tpu.wait_dma2 semaphore(%arg12 : memref<!tpu.dma_semaphore, #tpu.memory_space<semaphore_mem>>) src(%dma_wait3A_752 : memref<3136xi32, #tpu.memory_space<hbm>>) dst(%arg6 : memref<3136xi32, #tpu.memory_space<vmem>>)
    } else {
    }
    %convert_element_type3A_21 = arith.extui %eq3A_3 : i1 to i32
    %cond3A_22 = arith.constant 0 : i32
    %cond3A_23 = arith.cmpi ne, %convert_element_type3A_21, %cond3A_22 : i32
    scf.if %cond3A_23 {
      %dma_wait3A = arith.constant 0 : i32
      %dma_wait3A_750 = tpu.memref_slice %arg5[%dma_wait3A] : memref<3136xf32, #tpu.memory_space<vmem>> -> memref<2784xf32, #tpu.memory_space<vmem>>
      %dma_wait3A_751 = tpu.memref_slice %arg2[%mul3A_2] : memref<100000xf32, #tpu.memory_space<hbm>> -> memref<2784xf32, #tpu.memory_space<hbm>>
      %dma_wait3A_752 = arith.constant 0 : i32
      %dma_wait3A_753 = tpu.memref_slice %arg5[%dma_wait3A_752] : memref<3136xf32, #tpu.memory_space<vmem>> -> memref<2784xf32, #tpu.memory_space<vmem>>
      %dma_wait3A_754 = tpu.memref_slice %arg2[%mul3A_2] : memref<100000xf32, #tpu.memory_space<hbm>> -> memref<2784xf32, #tpu.memory_space<hbm>>
      tpu.wait_dma2 semaphore(%arg11 : memref<!tpu.dma_semaphore, #tpu.memory_space<semaphore_mem>>) src(%dma_wait3A_754 : memref<2784xf32, #tpu.memory_space<hbm>>) dst(%dma_wait3A_753 : memref<2784xf32, #tpu.memory_space<vmem>>)
      %dma_wait3A_755 = arith.constant 0 : i32
      %dma_wait3A_756 = tpu.memref_slice %arg6[%dma_wait3A_755] : memref<3136xi32, #tpu.memory_space<vmem>> -> memref<2784xi32, #tpu.memory_space<vmem>>
      %dma_wait3A_757 = tpu.memref_slice %arg3[%mul3A_2] : memref<100000xi32, #tpu.memory_space<hbm>> -> memref<2784xi32, #tpu.memory_space<hbm>>
      %dma_wait3A_758 = arith.constant 0 : i32
      %dma_wait3A_759 = tpu.memref_slice %arg6[%dma_wait3A_758] : memref<3136xi32, #tpu.memory_space<vmem>> -> memref<2784xi32, #tpu.memory_space<vmem>>
      %dma_wait3A_760 = tpu.memref_slice %arg3[%mul3A_2] : memref<100000xi32, #tpu.memory_space<hbm>> -> memref<2784xi32, #tpu.memory_space<hbm>>
      tpu.wait_dma2 semaphore(%arg12 : memref<!tpu.dma_semaphore, #tpu.memory_space<semaphore_mem>>) src(%dma_wait3A_760 : memref<2784xi32, #tpu.memory_space<hbm>>) dst(%dma_wait3A_759 : memref<2784xi32, #tpu.memory_space<vmem>>)
    } else {
    }
    %scan3A_24 = arith.constant 0 : i32
    %scan3A_25 = arith.constant 0 : i32
    %scan3A_26 = arith.constant 168 : i32
    %scan3A_27 = arith.addi %scan3A_25, %scan3A_26 : i32
    %scan3A_28 = arith.constant 8 : i32
    %scan3A_29 = scf.for %scan3A_750 = %scan3A_25 to %scan3A_27 step %scan3A_28 iter_args(%scan3A_751 = %scan3A_24) -> (i32)  : i32 {
      %mul3A_752 = arith.constant 16 : i32
      %mul3A_753 = arith.muli %scan3A_750, %mul3A_752 : i32
      %get3A_754 = arith.index_cast %mul3A_753 : i32 to index
      %get3A_755 = tpu.vector_load %arg6[%get3A_754] {strides = array<i32>} : memref<3136xi32, #tpu.memory_space<vmem>>, vector<16xi32>,
      %mul3A_756 = arith.constant 16 : i32
      %mul3A_757 = arith.muli %scan3A_750, %mul3A_756 : i32
      %get3A_758 = arith.index_cast %mul3A_757 : i32 to index
      %get3A_759 = tpu.vector_load %arg5[%get3A_758] {strides = array<i32>} : memref<3136xf32, #tpu.memory_space<vmem>>, vector<16xf32>,
      tpu.vector_store_idx %arg7[%get3A_755], %get3A_759 {add = true} : memref<2048xf32, #tpu.memory_space<vmem>>[vector<16xi32>], vector<16xf32>,
      %scan3A_760 = arith.constant 0 : i32
      %scan3A_761 = arith.constant 1 : i32
      %scan3A_762 = arith.addi %scan3A_750, %scan3A_761 : i32
      %mul3A_763 = arith.constant 16 : i32
      %mul3A_764 = arith.muli %scan3A_762, %mul3A_763 : i32
      %get3A_765 = arith.index_cast %mul3A_764 : i32 to index
      %get3A_766 = tpu.vector_load %arg6[%get3A_765] {strides = array<i32>} : memref<3136xi32, #tpu.memory_space<vmem>>, vector<16xi32>,
      %mul3A_767 = arith.constant 16 : i32
      %mul3A_768 = arith.muli %scan3A_762, %mul3A_767 : i32
      %get3A_769 = arith.index_cast %mul3A_768 : i32 to index
      %get3A_770 = tpu.vector_load %arg5[%get3A_769] {strides = array<i32>} : memref<3136xf32, #tpu.memory_space<vmem>>, vector<16xf32>,
      tpu.vector_store_idx %arg7[%get3A_766], %get3A_770 {add = true} : memref<2048xf32, #tpu.memory_space<vmem>>[vector<16xi32>], vector<16xf32>,
      %scan3A_771 = arith.constant 0 : i32
      %scan3A_772 = arith.constant 2 : i32
      %scan3A_773 = arith.addi %scan3A_750, %scan3A_772 : i32
      %mul3A_774 = arith.constant 16 : i32
      %mul3A_775 = arith.muli %scan3A_773, %mul3A_774 : i32
      %get3A_776 = arith.index_cast %mul3A_775 : i32 to index
      %get3A_777 = tpu.vector_load %arg6[%get3A_776] {strides = array<i32>} : memref<3136xi32, #tpu.memory_space<vmem>>, vector<16xi32>,
      %mul3A_778 = arith.constant 16 : i32
      %mul3A_779 = arith.muli %scan3A_773, %mul3A_778 : i32
      %get3A_780 = arith.index_cast %mul3A_779 : i32 to index
      %get3A_781 = tpu.vector_load %arg5[%get3A_780] {strides = array<i32>} : memref<3136xf32, #tpu.memory_space<vmem>>, vector<16xf32>,
      tpu.vector_store_idx %arg7[%get3A_777], %get3A_781 {add = true} : memref<2048xf32, #tpu.memory_space<vmem>>[vector<16xi32>], vector<16xf32>,
      %scan3A_782 = arith.constant 0 : i32
      %scan3A_783 = arith.constant 3 : i32
      %scan3A_784 = arith.addi %scan3A_750, %scan3A_783 : i32
      %mul3A_785 = arith.constant 16 : i32
      %mul3A_786 = arith.muli %scan3A_784, %mul3A_785 : i32
      %get3A_787 = arith.index_cast %mul3A_786 : i32 to index
      %get3A_788 = tpu.vector_load %arg6[%get3A_787] {strides = array<i32>} : memref<3136xi32, #tpu.memory_space<vmem>>, vector<16xi32>,
      %mul3A_789 = arith.constant 16 : i32
      %mul3A_790 = arith.muli %scan3A_784, %mul3A_789 : i32
      %get3A_791 = arith.index_cast %mul3A_790 : i32 to index
      %get3A_792 = tpu.vector_load %arg5[%get3A_791] {strides = array<i32>} : memref<3136xf32, #tpu.memory_space<vmem>>, vector<16xf32>,
      tpu.vector_store_idx %arg7[%get3A_788], %get3A_792 {add = true} : memref<2048xf32, #tpu.memory_space<vmem>>[vector<16xi32>], vector<16xf32>,
      %scan3A_793 = arith.constant 0 : i32
      %scan3A_794 = arith.constant 4 : i32
      %scan3A_795 = arith.addi %scan3A_750, %scan3A_794 : i32
      %mul3A_796 = arith.constant 16 : i32
      %mul3A_797 = arith.muli %scan3A_795, %mul3A_796 : i32
      %get3A_798 = arith.index_cast %mul3A_797 : i32 to index
      %get3A_799 = tpu.vector_load %arg6[%get3A_798] {strides = array<i32>} : memref<3136xi32, #tpu.memory_space<vmem>>, vector<16xi32>,
      %mul3A_800 = arith.constant 16 : i32
      %mul3A_801 = arith.muli %scan3A_795, %mul3A_800 : i32
      %get3A_802 = arith.index_cast %mul3A_801 : i32 to index
      %get3A_803 = tpu.vector_load %arg5[%get3A_802] {strides = array<i32>} : memref<3136xf32, #tpu.memory_space<vmem>>, vector<16xf32>,
      tpu.vector_store_idx %arg7[%get3A_799], %get3A_803 {add = true} : memref<2048xf32, #tpu.memory_space<vmem>>[vector<16xi32>], vector<16xf32>,
      %scan3A_804 = arith.constant 0 : i32
      %scan3A_805 = arith.constant 5 : i32
      %scan3A_806 = arith.addi %scan3A_750, %scan3A_805 : i32
      %mul3A_807 = arith.constant 16 : i32
      %mul3A_808 = arith.muli %scan3A_806, %mul3A_807 : i32
      %get3A_809 = arith.index_cast %mul3A_808 : i32 to index
      %get3A_810 = tpu.vector_load %arg6[%get3A_809] {strides = array<i32>} : memref<3136xi32, #tpu.memory_space<vmem>>, vector<16xi32>,
      %mul3A_811 = arith.constant 16 : i32
      %mul3A_812 = arith.muli %scan3A_806, %mul3A_811 : i32
      %get3A_813 = arith.index_cast %mul3A_812 : i32 to index
      %get3A_814 = tpu.vector_load %arg5[%get3A_813] {strides = array<i32>} : memref<3136xf32, #tpu.memory_space<vmem>>, vector<16xf32>,
      tpu.vector_store_idx %arg7[%get3A_810], %get3A_814 {add = true} : memref<2048xf32, #tpu.memory_space<vmem>>[vector<16xi32>], vector<16xf32>,
      %scan3A_815 = arith.constant 0 : i32
      %scan3A_816 = arith.constant 6 : i32
      %scan3A_817 = arith.addi %scan3A_750, %scan3A_816 : i32
      %mul3A_818 = arith.constant 16 : i32
      %mul3A_819 = arith.muli %scan3A_817, %mul3A_818 : i32
      %get3A_820 = arith.index_cast %mul3A_819 : i32 to index
      %get3A_821 = tpu.vector_load %arg6[%get3A_820] {strides = array<i32>} : memref<3136xi32, #tpu.memory_space<vmem>>, vector<16xi32>,
      %mul3A_822 = arith.constant 16 : i32
      %mul3A_823 = arith.muli %scan3A_817, %mul3A_822 : i32
      %get3A_824 = arith.index_cast %mul3A_823 : i32 to index
      %get3A_825 = tpu.vector_load %arg5[%get3A_824] {strides = array<i32>} : memref<3136xf32, #tpu.memory_space<vmem>>, vector<16xf32>,
      tpu.vector_store_idx %arg7[%get3A_821], %get3A_825 {add = true} : memref<2048xf32, #tpu.memory_space<vmem>>[vector<16xi32>], vector<16xf32>,
      %scan3A_826 = arith.constant 0 : i32
      %scan3A_827 = arith.constant 7 : i32
      %scan3A_828 = arith.addi %scan3A_750, %scan3A_827 : i32
      %mul3A_829 = arith.constant 16 : i32
      %mul3A_830 = arith.muli %scan3A_828, %mul3A_829 : i32
      %get3A_831 = arith.index_cast %mul3A_830 : i32 to index
      %get3A_832 = tpu.vector_load %arg6[%get3A_831] {strides = array<i32>} : memref<3136xi32, #tpu.memory_space<vmem>>, vector<16xi32>,
      %mul3A_833 = arith.constant 16 : i32
      %mul3A_834 = arith.muli %scan3A_828, %mul3A_833 : i32
      %get3A_835 = arith.index_cast %mul3A_834 : i32 to index
      %get3A_836 = tpu.vector_load %arg5[%get3A_835] {strides = array<i32>} : memref<3136xf32, #tpu.memory_space<vmem>>, vector<16xf32>,
      tpu.vector_store_idx %arg7[%get3A_832], %get3A_836 {add = true} : memref<2048xf32, #tpu.memory_space<vmem>>[vector<16xi32>], vector<16xf32>,
      %scan3A_837 = arith.constant 0 : i32
      scf.yield %scan3A_837 : i32
    }
    %scan3A_30 = arith.constant 168 : i32
    %scan3A_31 = arith.addi %scan3A_25, %scan3A_30 : i32
    %mul3A_32 = arith.constant 16 : i32
    %mul3A_33 = arith.muli %scan3A_31, %mul3A_32 : i32
    %get3A = arith.index_cast %mul3A_33 : i32 to index
    %get3A_34 = tpu.vector_load %arg6[%get3A] {strides = array<i32>} : memref<3136xi32, #tpu.memory_space<vmem>>, vector<16xi32>,
    %mul3A_35 = arith.constant 16 : i32
    %mul3A_36 = arith.muli %scan3A_31, %mul3A_35 : i32
    %get3A_37 = arith.index_cast %mul3A_36 : i32 to index
    %get3A_38 = tpu.vector_load %arg5[%get3A_37] {strides = array<i32>} : memref<3136xf32, #tpu.memory_space<vmem>>, vector<16xf32>,
    tpu.vector_store_idx %arg7[%get3A_34], %get3A_38 {add = true} : memref<2048xf32, #tpu.memory_space<vmem>>[vector<16xi32>], vector<16xf32>,
    %scan3A_39 = arith.constant 0 : i32
    %scan3A_40 = arith.constant 169 : i32
    %scan3A_41 = arith.addi %scan3A_25, %scan3A_40 : i32
    %mul3A_42 = arith.constant 16 : i32
    %mul3A_43 = arith.muli %scan3A_41, %mul3A_42 : i32
    %get3A_44 = arith.index_cast %mul3A_43 : i32 to index
    %get3A_45 = tpu.vector_load %arg6[%get3A_44] {strides = array<i32>} : memref<3136xi32, #tpu.memory_space<vmem>>, vector<16xi32>,
    %mul3A_46 = arith.constant 16 : i32
    %mul3A_47 = arith.muli %scan3A_41, %mul3A_46 : i32
    %get3A_48 = arith.index_cast %mul3A_47 : i32 to index
    %get3A_49 = tpu.vector_load %arg5[%get3A_48] {strides = array<i32>} : memref<3136xf32, #tpu.memory_space<vmem>>, vector<16xf32>,
    tpu.vector_store_idx %arg7[%get3A_45], %get3A_49 {add = true} : memref<2048xf32, #tpu.memory_space<vmem>>[vector<16xi32>], vector<16xf32>,
    %scan3A_50 = arith.constant 0 : i32
    %scan3A_51 = arith.constant 170 : i32
    %scan3A_52 = arith.addi %scan3A_25, %scan3A_51 : i32
    %mul3A_53 = arith.constant 16 : i32
    %mul3A_54 = arith.muli %scan3A_52, %mul3A_53 : i32
    %get3A_55 = arith.index_cast %mul3A_54 : i32 to index
    %get3A_56 = tpu.vector_load %arg6[%get3A_55] {strides = array<i32>} : memref<3136xi32, #tpu.memory_space<vmem>>, vector<16xi32>,
    %mul3A_57 = arith.constant 16 : i32
    %mul3A_58 = arith.muli %scan3A_52, %mul3A_57 : i32
    %get3A_59 = arith.index_cast %mul3A_58 : i32 to index
    %get3A_60 = tpu.vector_load %arg5[%get3A_59] {strides = array<i32>} : memref<3136xf32, #tpu.memory_space<vmem>>, vector<16xf32>,
    tpu.vector_store_idx %arg7[%get3A_56], %get3A_60 {add = true} : memref<2048xf32, #tpu.memory_space<vmem>>[vector<16xi32>], vector<16xf32>,
    %scan3A_61 = arith.constant 0 : i32
    %scan3A_62 = arith.constant 171 : i32
    %scan3A_63 = arith.addi %scan3A_25, %scan3A_62 : i32
    %mul3A_64 = arith.constant 16 : i32
    %mul3A_65 = arith.muli %scan3A_63, %mul3A_64 : i32
    %get3A_66 = arith.index_cast %mul3A_65 : i32 to index
    %get3A_67 = tpu.vector_load %arg6[%get3A_66] {strides = array<i32>} : memref<3136xi32, #tpu.memory_space<vmem>>, vector<16xi32>,
    %mul3A_68 = arith.constant 16 : i32
    %mul3A_69 = arith.muli %scan3A_63, %mul3A_68 : i32
    %get3A_70 = arith.index_cast %mul3A_69 : i32 to index
    %get3A_71 = tpu.vector_load %arg5[%get3A_70] {strides = array<i32>} : memref<3136xf32, #tpu.memory_space<vmem>>, vector<16xf32>,
    tpu.vector_store_idx %arg7[%get3A_67], %get3A_71 {add = true} : memref<2048xf32, #tpu.memory_space<vmem>>[vector<16xi32>], vector<16xf32>,
    %scan3A_72 = arith.constant 0 : i32
    %scan3A_73 = arith.constant 172 : i32
    %scan3A_74 = arith.addi %scan3A_25, %scan3A_73 : i32
    %mul3A_75 = arith.constant 16 : i32
    %mul3A_76 = arith.muli %scan3A_74, %mul3A_75 : i32
    %get3A_77 = arith.index_cast %mul3A_76 : i32 to index
    %get3A_78 = tpu.vector_load %arg6[%get3A_77] {strides = array<i32>} : memref<3136xi32, #tpu.memory_space<vmem>>, vector<16xi32>,
    %mul3A_79 = arith.constant 16 : i32
    %mul3A_80 = arith.muli %scan3A_74, %mul3A_79 : i32
    %get3A_81 = arith.index_cast %mul3A_80 : i32 to index
    %get3A_82 = tpu.vector_load %arg5[%get3A_81] {strides = array<i32>} : memref<3136xf32, #tpu.memory_space<vmem>>, vector<16xf32>,
    tpu.vector_store_idx %arg7[%get3A_78], %get3A_82 {add = true} : memref<2048xf32, #tpu.memory_space<vmem>>[vector<16xi32>], vector<16xf32>,
    %scan3A_83 = arith.constant 0 : i32
    %scan3A_84 = arith.constant 173 : i32
    %scan3A_85 = arith.addi %scan3A_25, %scan3A_84 : i32
    %mul3A_86 = arith.constant 16 : i32
    %mul3A_87 = arith.muli %scan3A_85, %mul3A_86 : i32
    %get3A_88 = arith.index_cast %mul3A_87 : i32 to index
    %get3A_89 = tpu.vector_load %arg6[%get3A_88] {strides = array<i32>} : memref<3136xi32, #tpu.memory_space<vmem>>, vector<16xi32>,
    %mul3A_90 = arith.constant 16 : i32
    %mul3A_91 = arith.muli %scan3A_85, %mul3A_90 : i32
    %get3A_92 = arith.index_cast %mul3A_91 : i32 to index
    %get3A_93 = tpu.vector_load %arg5[%get3A_92] {strides = array<i32>} : memref<3136xf32, #tpu.memory_space<vmem>>, vector<16xf32>,
    tpu.vector_store_idx %arg7[%get3A_89], %get3A_93 {add = true} : memref<2048xf32, #tpu.memory_space<vmem>>[vector<16xi32>], vector<16xf32>,
    %scan3A_94 = arith.constant 0 : i32
    %scan3A_95 = arith.constant 174 : i32
    %not3A_96 = arith.constant true
    %not3A_97 = arith.xori %eq3A_3, %not3A_96 : i1
    %convert_element_type3A_98 = arith.extui %not3A_97 : i1 to i32
    %cond3A_99 = arith.constant 0 : i32
    %cond3A_100 = arith.cmpi ne, %convert_element_type3A_98, %cond3A_99 : i32
    scf.if %cond3A_100 {
      %scan3A_750 = arith.constant 0 : i32
      %scan3A_751 = arith.constant 174 : i32
      %scan3A_752 = arith.constant 16 : i32
      %scan3A_753 = arith.addi %scan3A_751, %scan3A_752 : i32
      %scan3A_754 = arith.constant 8 : i32
      %scan3A_755 = scf.for %scan3A_823 = %scan3A_751 to %scan3A_753 step %scan3A_754 iter_args(%scan3A_824 = %scan3A_750) -> (i32)  : i32 {
        %mul3A_825 = arith.constant 16 : i32
        %mul3A_826 = arith.muli %scan3A_823, %mul3A_825 : i32
        %get3A_827 = arith.index_cast %mul3A_826 : i32 to index
        %get3A_828 = tpu.vector_load %arg6[%get3A_827] {strides = array<i32>} : memref<3136xi32, #tpu.memory_space<vmem>>, vector<16xi32>,
        %mul3A_829 = arith.constant 16 : i32
        %mul3A_830 = arith.muli %scan3A_823, %mul3A_829 : i32
        %get3A_831 = arith.index_cast %mul3A_830 : i32 to index
        %get3A_832 = tpu.vector_load %arg5[%get3A_831] {strides = array<i32>} : memref<3136xf32, #tpu.memory_space<vmem>>, vector<16xf32>,
        tpu.vector_store_idx %arg7[%get3A_828], %get3A_832 {add = true} : memref<2048xf32, #tpu.memory_space<vmem>>[vector<16xi32>], vector<16xf32>,
        %scan3A_833 = arith.constant 0 : i32
        %scan3A_834 = arith.constant 1 : i32
        %scan3A_835 = arith.addi %scan3A_823, %scan3A_834 : i32
        %mul3A_836 = arith.constant 16 : i32
        %mul3A_837 = arith.muli %scan3A_835, %mul3A_836 : i32
        %get3A_838 = arith.index_cast %mul3A_837 : i32 to index
        %get3A_839 = tpu.vector_load %arg6[%get3A_838] {strides = array<i32>} : memref<3136xi32, #tpu.memory_space<vmem>>, vector<16xi32>,
        %mul3A_840 = arith.constant 16 : i32
        %mul3A_841 = arith.muli %scan3A_835, %mul3A_840 : i32
        %get3A_842 = arith.index_cast %mul3A_841 : i32 to index
        %get3A_843 = tpu.vector_load %arg5[%get3A_842] {strides = array<i32>} : memref<3136xf32, #tpu.memory_space<vmem>>, vector<16xf32>,
        tpu.vector_store_idx %arg7[%get3A_839], %get3A_843 {add = true} : memref<2048xf32, #tpu.memory_space<vmem>>[vector<16xi32>], vector<16xf32>,
        %scan3A_844 = arith.constant 0 : i32
        %scan3A_845 = arith.constant 2 : i32
        %scan3A_846 = arith.addi %scan3A_823, %scan3A_845 : i32
        %mul3A_847 = arith.constant 16 : i32
        %mul3A_848 = arith.muli %scan3A_846, %mul3A_847 : i32
        %get3A_849 = arith.index_cast %mul3A_848 : i32 to index
        %get3A_850 = tpu.vector_load %arg6[%get3A_849] {strides = array<i32>} : memref<3136xi32, #tpu.memory_space<vmem>>, vector<16xi32>,
        %mul3A_851 = arith.constant 16 : i32
        %mul3A_852 = arith.muli %scan3A_846, %mul3A_851 : i32
        %get3A_853 = arith.index_cast %mul3A_852 : i32 to index
        %get3A_854 = tpu.vector_load %arg5[%get3A_853] {strides = array<i32>} : memref<3136xf32, #tpu.memory_space<vmem>>, vector<16xf32>,
        tpu.vector_store_idx %arg7[%get3A_850], %get3A_854 {add = true} : memref<2048xf32, #tpu.memory_space<vmem>>[vector<16xi32>], vector<16xf32>,
        %scan3A_855 = arith.constant 0 : i32
        %scan3A_856 = arith.constant 3 : i32
        %scan3A_857 = arith.addi %scan3A_823, %scan3A_856 : i32
        %mul3A_858 = arith.constant 16 : i32
        %mul3A_859 = arith.muli %scan3A_857, %mul3A_858 : i32
        %get3A_860 = arith.index_cast %mul3A_859 : i32 to index
        %get3A_861 = tpu.vector_load %arg6[%get3A_860] {strides = array<i32>} : memref<3136xi32, #tpu.memory_space<vmem>>, vector<16xi32>,
        %mul3A_862 = arith.constant 16 : i32
        %mul3A_863 = arith.muli %scan3A_857, %mul3A_862 : i32
        %get3A_864 = arith.index_cast %mul3A_863 : i32 to index
        %get3A_865 = tpu.vector_load %arg5[%get3A_864] {strides = array<i32>} : memref<3136xf32, #tpu.memory_space<vmem>>, vector<16xf32>,
        tpu.vector_store_idx %arg7[%get3A_861], %get3A_865 {add = true} : memref<2048xf32, #tpu.memory_space<vmem>>[vector<16xi32>], vector<16xf32>,
        %scan3A_866 = arith.constant 0 : i32
        %scan3A_867 = arith.constant 4 : i32
        %scan3A_868 = arith.addi %scan3A_823, %scan3A_867 : i32
        %mul3A_869 = arith.constant 16 : i32
        %mul3A_870 = arith.muli %scan3A_868, %mul3A_869 : i32
        %get3A_871 = arith.index_cast %mul3A_870 : i32 to index
        %get3A_872 = tpu.vector_load %arg6[%get3A_871] {strides = array<i32>} : memref<3136xi32, #tpu.memory_space<vmem>>, vector<16xi32>,
        %mul3A_873 = arith.constant 16 : i32
        %mul3A_874 = arith.muli %scan3A_868, %mul3A_873 : i32
        %get3A_875 = arith.index_cast %mul3A_874 : i32 to index
        %get3A_876 = tpu.vector_load %arg5[%get3A_875] {strides = array<i32>} : memref<3136xf32, #tpu.memory_space<vmem>>, vector<16xf32>,
        tpu.vector_store_idx %arg7[%get3A_872], %get3A_876 {add = true} : memref<2048xf32, #tpu.memory_space<vmem>>[vector<16xi32>], vector<16xf32>,
        %scan3A_877 = arith.constant 0 : i32
        %scan3A_878 = arith.constant 5 : i32
        %scan3A_879 = arith.addi %scan3A_823, %scan3A_878 : i32
        %mul3A_880 = arith.constant 16 : i32
        %mul3A_881 = arith.muli %scan3A_879, %mul3A_880 : i32
        %get3A_882 = arith.index_cast %mul3A_881 : i32 to index
        %get3A_883 = tpu.vector_load %arg6[%get3A_882] {strides = array<i32>} : memref<3136xi32, #tpu.memory_space<vmem>>, vector<16xi32>,
        %mul3A_884 = arith.constant 16 : i32
        %mul3A_885 = arith.muli %scan3A_879, %mul3A_884 : i32
        %get3A_886 = arith.index_cast %mul3A_885 : i32 to index
        %get3A_887 = tpu.vector_load %arg5[%get3A_886] {strides = array<i32>} : memref<3136xf32, #tpu.memory_space<vmem>>, vector<16xf32>,
        tpu.vector_store_idx %arg7[%get3A_883], %get3A_887 {add = true} : memref<2048xf32, #tpu.memory_space<vmem>>[vector<16xi32>], vector<16xf32>,
        %scan3A_888 = arith.constant 0 : i32
        %scan3A_889 = arith.constant 6 : i32
        %scan3A_890 = arith.addi %scan3A_823, %scan3A_889 : i32
        %mul3A_891 = arith.constant 16 : i32
        %mul3A_892 = arith.muli %scan3A_890, %mul3A_891 : i32
        %get3A_893 = arith.index_cast %mul3A_892 : i32 to index
        %get3A_894 = tpu.vector_load %arg6[%get3A_893] {strides = array<i32>} : memref<3136xi32, #tpu.memory_space<vmem>>, vector<16xi32>,
        %mul3A_895 = arith.constant 16 : i32
        %mul3A_896 = arith.muli %scan3A_890, %mul3A_895 : i32
        %get3A_897 = arith.index_cast %mul3A_896 : i32 to index
        %get3A_898 = tpu.vector_load %arg5[%get3A_897] {strides = array<i32>} : memref<3136xf32, #tpu.memory_space<vmem>>, vector<16xf32>,
        tpu.vector_store_idx %arg7[%get3A_894], %get3A_898 {add = true} : memref<2048xf32, #tpu.memory_space<vmem>>[vector<16xi32>], vector<16xf32>,
        %scan3A_899 = arith.constant 0 : i32
        %scan3A_900 = arith.constant 7 : i32
        %scan3A_901 = arith.addi %scan3A_823, %scan3A_900 : i32
        %mul3A_902 = arith.constant 16 : i32
        %mul3A_903 = arith.muli %scan3A_901, %mul3A_902 : i32
        %get3A_904 = arith.index_cast %mul3A_903 : i32 to index
        %get3A_905 = tpu.vector_load %arg6[%get3A_904] {strides = array<i32>} : memref<3136xi32, #tpu.memory_space<vmem>>, vector<16xi32>,
        %mul3A_906 = arith.constant 16 : i32
        %mul3A_907 = arith.muli %scan3A_901, %mul3A_906 : i32
        %get3A_908 = arith.index_cast %mul3A_907 : i32 to index
        %get3A_909 = tpu.vector_load %arg5[%get3A_908] {strides = array<i32>} : memref<3136xf32, #tpu.memory_space<vmem>>, vector<16xf32>,
        tpu.vector_store_idx %arg7[%get3A_905], %get3A_909 {add = true} : memref<2048xf32, #tpu.memory_space<vmem>>[vector<16xi32>], vector<16xf32>,
        %scan3A_910 = arith.constant 0 : i32
        scf.yield %scan3A_910 : i32
      }
      %scan3A_756 = arith.constant 16 : i32
      %scan3A_757 = arith.addi %scan3A_751, %scan3A_756 : i32
      %mul3A_758 = arith.constant 16 : i32
      %mul3A_759 = arith.muli %scan3A_757, %mul3A_758 : i32
      %get3A_760 = arith.index_cast %mul3A_759 : i32 to index
      %get3A_761 = tpu.vector_load %arg6[%get3A_760] {strides = array<i32>} : memref<3136xi32, #tpu.memory_space<vmem>>, vector<16xi32>,
      %mul3A_762 = arith.constant 16 : i32
      %mul3A_763 = arith.muli %scan3A_757, %mul3A_762 : i32
      %get3A_764 = arith.index_cast %mul3A_763 : i32 to index
      %get3A_765 = tpu.vector_load %arg5[%get3A_764] {strides = array<i32>} : memref<3136xf32, #tpu.memory_space<vmem>>, vector<16xf32>,
      tpu.vector_store_idx %arg7[%get3A_761], %get3A_765 {add = true} : memref<2048xf32, #tpu.memory_space<vmem>>[vector<16xi32>], vector<16xf32>,
      %scan3A_766 = arith.constant 0 : i32
      %scan3A_767 = arith.constant 17 : i32
      %scan3A_768 = arith.addi %scan3A_751, %scan3A_767 : i32
      %mul3A_769 = arith.constant 16 : i32
      %mul3A_770 = arith.muli %scan3A_768, %mul3A_769 : i32
      %get3A_771 = arith.index_cast %mul3A_770 : i32 to index
      %get3A_772 = tpu.vector_load %arg6[%get3A_771] {strides = array<i32>} : memref<3136xi32, #tpu.memory_space<vmem>>, vector<16xi32>,
      %mul3A_773 = arith.constant 16 : i32
      %mul3A_774 = arith.muli %scan3A_768, %mul3A_773 : i32
      %get3A_775 = arith.index_cast %mul3A_774 : i32 to index
      %get3A_776 = tpu.vector_load %arg5[%get3A_775] {strides = array<i32>} : memref<3136xf32, #tpu.memory_space<vmem>>, vector<16xf32>,
      tpu.vector_store_idx %arg7[%get3A_772], %get3A_776 {add = true} : memref<2048xf32, #tpu.memory_space<vmem>>[vector<16xi32>], vector<16xf32>,
      %scan3A_777 = arith.constant 0 : i32
      %scan3A_778 = arith.constant 18 : i32
      %scan3A_779 = arith.addi %scan3A_751, %scan3A_778 : i32
      %mul3A_780 = arith.constant 16 : i32
      %mul3A_781 = arith.muli %scan3A_779, %mul3A_780 : i32
      %get3A_782 = arith.index_cast %mul3A_781 : i32 to index
      %get3A_783 = tpu.vector_load %arg6[%get3A_782] {strides = array<i32>} : memref<3136xi32, #tpu.memory_space<vmem>>, vector<16xi32>,
      %mul3A_784 = arith.constant 16 : i32
      %mul3A_785 = arith.muli %scan3A_779, %mul3A_784 : i32
      %get3A_786 = arith.index_cast %mul3A_785 : i32 to index
      %get3A_787 = tpu.vector_load %arg5[%get3A_786] {strides = array<i32>} : memref<3136xf32, #tpu.memory_space<vmem>>, vector<16xf32>,
      tpu.vector_store_idx %arg7[%get3A_783], %get3A_787 {add = true} : memref<2048xf32, #tpu.memory_space<vmem>>[vector<16xi32>], vector<16xf32>,
      %scan3A_788 = arith.constant 0 : i32
      %scan3A_789 = arith.constant 19 : i32
      %scan3A_790 = arith.addi %scan3A_751, %scan3A_789 : i32
      %mul3A_791 = arith.constant 16 : i32
      %mul3A_792 = arith.muli %scan3A_790, %mul3A_791 : i32
      %get3A_793 = arith.index_cast %mul3A_792 : i32 to index
      %get3A_794 = tpu.vector_load %arg6[%get3A_793] {strides = array<i32>} : memref<3136xi32, #tpu.memory_space<vmem>>, vector<16xi32>,
      %mul3A_795 = arith.constant 16 : i32
      %mul3A_796 = arith.muli %scan3A_790, %mul3A_795 : i32
      %get3A_797 = arith.index_cast %mul3A_796 : i32 to index
      %get3A_798 = tpu.vector_load %arg5[%get3A_797] {strides = array<i32>} : memref<3136xf32, #tpu.memory_space<vmem>>, vector<16xf32>,
      tpu.vector_store_idx %arg7[%get3A_794], %get3A_798 {add = true} : memref<2048xf32, #tpu.memory_space<vmem>>[vector<16xi32>], vector<16xf32>,
      %scan3A_799 = arith.constant 0 : i32
      %scan3A_800 = arith.constant 20 : i32
      %scan3A_801 = arith.addi %scan3A_751, %scan3A_800 : i32
      %mul3A_802 = arith.constant 16 : i32
      %mul3A_803 = arith.muli %scan3A_801, %mul3A_802 : i32
      %get3A_804 = arith.index_cast %mul3A_803 : i32 to index
      %get3A_805 = tpu.vector_load %arg6[%get3A_804] {strides = array<i32>} : memref<3136xi32, #tpu.memory_space<vmem>>, vector<16xi32>,
      %mul3A_806 = arith.constant 16 : i32
      %mul3A_807 = arith.muli %scan3A_801, %mul3A_806 : i32
      %get3A_808 = arith.index_cast %mul3A_807 : i32 to index
      %get3A_809 = tpu.vector_load %arg5[%get3A_808] {strides = array<i32>} : memref<3136xf32, #tpu.memory_space<vmem>>, vector<16xf32>,
      tpu.vector_store_idx %arg7[%get3A_805], %get3A_809 {add = true} : memref<2048xf32, #tpu.memory_space<vmem>>[vector<16xi32>], vector<16xf32>,
      %scan3A_810 = arith.constant 0 : i32
      %scan3A_811 = arith.constant 21 : i32
      %scan3A_812 = arith.addi %scan3A_751, %scan3A_811 : i32
      %mul3A_813 = arith.constant 16 : i32
      %mul3A_814 = arith.muli %scan3A_812, %mul3A_813 : i32
      %get3A_815 = arith.index_cast %mul3A_814 : i32 to index
      %get3A_816 = tpu.vector_load %arg6[%get3A_815] {strides = array<i32>} : memref<3136xi32, #tpu.memory_space<vmem>>, vector<16xi32>,
      %mul3A_817 = arith.constant 16 : i32
      %mul3A_818 = arith.muli %scan3A_812, %mul3A_817 : i32
      %get3A_819 = arith.index_cast %mul3A_818 : i32 to index
      %get3A_820 = tpu.vector_load %arg5[%get3A_819] {strides = array<i32>} : memref<3136xf32, #tpu.memory_space<vmem>>, vector<16xf32>,
      tpu.vector_store_idx %arg7[%get3A_816], %get3A_820 {add = true} : memref<2048xf32, #tpu.memory_space<vmem>>[vector<16xi32>], vector<16xf32>,
      %scan3A_821 = arith.constant 0 : i32
      %scan3A_822 = arith.constant 22 : i32
    } else {
    }
    "tpu.region"() ({
      %run_scoped3A = tpu.sem_alloc : memref<!tpu.dma_semaphore, #tpu.memory_space<semaphore_mem>>
      %dma_start3A = arith.constant 0 : i32
      %dma_start3A_750 = tpu.memref_slice %arg10[%arg1, %dma_start3A] : memref<16x2048xf32, #tpu.memory_space<vmem_shared>> -> memref<1x2048xf32, #tpu.memory_space<vmem_shared>>
      %dma_start3A_751 = tpu.memref_squeeze %dma_start3A_750 : memref<1x2048xf32, #tpu.memory_space<vmem_shared>> -> memref<2048xf32, #tpu.memory_space<vmem_shared>>
      %dma_start3A_752 = arith.constant 0 : i32
      %dma_start3A_753 = tpu.memref_slice %arg10[%arg1, %dma_start3A_752] : memref<16x2048xf32, #tpu.memory_space<vmem_shared>> -> memref<1x2048xf32, #tpu.memory_space<vmem_shared>>
      %dma_start3A_754 = tpu.memref_squeeze %dma_start3A_753 : memref<1x2048xf32, #tpu.memory_space<vmem_shared>> -> memref<2048xf32, #tpu.memory_space<vmem_shared>>
      tpu.enqueue_dma source(%arg7 : memref<2048xf32, #tpu.memory_space<vmem>>) target(%dma_start3A_754 : memref<2048xf32, #tpu.memory_space<vmem_shared>>) target_semaphore(%run_scoped3A : memref<!tpu.dma_semaphore, #tpu.memory_space<semaphore_mem>>)
      %dma_wait3A = arith.constant 0 : i32
      %dma_wait3A_755 = tpu.memref_slice %arg10[%arg1, %dma_wait3A] : memref<16x2048xf32, #tpu.memory_space<vmem_shared>> -> memref<1x2048xf32, #tpu.memory_space<vmem_shared>>
      %dma_wait3A_756 = tpu.memref_squeeze %dma_wait3A_755 : memref<1x2048xf32, #tpu.memory_space<vmem_shared>> -> memref<2048xf32, #tpu.memory_space<vmem_shared>>
      %dma_wait3A_757 = arith.constant 0 : i32
      %dma_wait3A_758 = tpu.memref_slice %arg10[%arg1, %dma_wait3A_757] : memref<16x2048xf32, #tpu.memory_space<vmem_shared>> -> memref<1x2048xf32, #tpu.memory_space<vmem_shared>>
      %dma_wait3A_759 = tpu.memref_squeeze %dma_wait3A_758 : memref<1x2048xf32, #tpu.memory_space<vmem_shared>> -> memref<2048xf32, #tpu.memory_space<vmem_shared>>
      tpu.wait_dma2 semaphore(%run_scoped3A : memref<!tpu.dma_semaphore, #tpu.memory_space<semaphore_mem>>) src(%arg7 : memref<2048xf32, #tpu.memory_space<vmem>>) dst(%dma_wait3A_759 : memref<2048xf32, #tpu.memory_space<vmem_shared>>)
      tpu.yield
    }) : () -> ()
    %barrier3A = arith.constant 0 : index
    tpu.barrier barrier_id(%barrier3A)
    %mul3A_101 = arith.constant 128 : i32
    %mul3A_102 = arith.muli %arg1, %mul3A_101 : i32
    "tpu.region"() ({
      %run_scoped3A = tpu.sem_alloc : memref<!tpu.dma_semaphore, #tpu.memory_space<semaphore_mem>>
      %dma_start3A = arith.constant 0 : i32
      %dma_start3A_750 = tpu.memref_slice %arg10[%dma_start3A, %mul3A_102] : memref<16x2048xf32, #tpu.memory_space<vmem_shared>> -> memref<16x128xf32, #tpu.memory_space<vmem_shared>>
      %dma_start3A_751 = arith.constant 0 : i32
      %dma_start3A_752 = tpu.memref_slice %arg10[%dma_start3A_751, %mul3A_102] : memref<16x2048xf32, #tpu.memory_space<vmem_shared>> -> memref<16x128xf32, #tpu.memory_space<vmem_shared>>
      tpu.enqueue_dma source(%dma_start3A_752 : memref<16x128xf32, #tpu.memory_space<vmem_shared>>) target(%arg8 : memref<16x128xf32, #tpu.memory_space<vmem>>) target_semaphore(%run_scoped3A : memref<!tpu.dma_semaphore, #tpu.memory_space<semaphore_mem>>)
      %dma_wait3A = arith.constant 0 : i32
      %dma_wait3A_753 = tpu.memref_slice %arg10[%dma_wait3A, %mul3A_102] : memref<16x2048xf32, #tpu.memory_space<vmem_shared>> -> memref<16x128xf32, #tpu.memory_space<vmem_shared>>
      %dma_wait3A_754 = arith.constant 0 : i32
      %dma_wait3A_755 = tpu.memref_slice %arg10[%dma_wait3A_754, %mul3A_102] : memref<16x2048xf32, #tpu.memory_space<vmem_shared>> -> memref<16x128xf32, #tpu.memory_space<vmem_shared>>
      tpu.wait_dma2 semaphore(%run_scoped3A : memref<!tpu.dma_semaphore, #tpu.memory_space<semaphore_mem>>) src(%dma_wait3A_755 : memref<16x128xf32, #tpu.memory_space<vmem_shared>>) dst(%arg8 : memref<16x128xf32, #tpu.memory_space<vmem>>)
      tpu.yield
    }) : () -> ()
    %get3A_103 = arith.constant 0 : i32
    %get3A_104 = arith.index_cast %get3A_103 : i32 to index
    %get3A_105 = arith.constant 0 : index
    %get3A_106 = tpu.vector_load %arg8[%get3A_104, %get3A_105] {strides = array<i32>} : memref<16x128xf32, #tpu.memory_space<vmem>>, vector<16xf32>,
    %get3A_107 = arith.constant 1 : i32
    %get3A_108 = arith.index_cast %get3A_107 : i32 to index
    %get3A_109 = arith.constant 0 : index
    %get3A_110 = tpu.vector_load %arg8[%get3A_108, %get3A_109] {strides = array<i32>} : memref<16x128xf32, #tpu.memory_space<vmem>>, vector<16xf32>,
    %add3A_111 = arith.addf %get3A_106, %get3A_110 : vector<16xf32>
    %get3A_112 = arith.constant 2 : i32
    %get3A_113 = arith.index_cast %get3A_112 : i32 to index
    %get3A_114 = arith.constant 0 : index
    %get3A_115 = tpu.vector_load %arg8[%get3A_113, %get3A_114] {strides = array<i32>} : memref<16x128xf32, #tpu.memory_space<vmem>>, vector<16xf32>,
    %add3A_116 = arith.addf %add3A_111, %get3A_115 : vector<16xf32>
    %get3A_117 = arith.constant 3 : i32
    %get3A_118 = arith.index_cast %get3A_117 : i32 to index
    %get3A_119 = arith.constant 0 : index
    %get3A_120 = tpu.vector_load %arg8[%get3A_118, %get3A_119] {strides = array<i32>} : memref<16x128xf32, #tpu.memory_space<vmem>>, vector<16xf32>,
    %add3A_121 = arith.addf %add3A_116, %get3A_120 : vector<16xf32>
    %get3A_122 = arith.constant 4 : i32
    %get3A_123 = arith.index_cast %get3A_122 : i32 to index
    %get3A_124 = arith.constant 0 : index
    %get3A_125 = tpu.vector_load %arg8[%get3A_123, %get3A_124] {strides = array<i32>} : memref<16x128xf32, #tpu.memory_space<vmem>>, vector<16xf32>,
    %add3A_126 = arith.addf %add3A_121, %get3A_125 : vector<16xf32>
    %get3A_127 = arith.constant 5 : i32
    %get3A_128 = arith.index_cast %get3A_127 : i32 to index
    %get3A_129 = arith.constant 0 : index
    %get3A_130 = tpu.vector_load %arg8[%get3A_128, %get3A_129] {strides = array<i32>} : memref<16x128xf32, #tpu.memory_space<vmem>>, vector<16xf32>,
    %add3A_131 = arith.addf %add3A_126, %get3A_130 : vector<16xf32>
    %get3A_132 = arith.constant 6 : i32
    %get3A_133 = arith.index_cast %get3A_132 : i32 to index
    %get3A_134 = arith.constant 0 : index
    %get3A_135 = tpu.vector_load %arg8[%get3A_133, %get3A_134] {strides = array<i32>} : memref<16x128xf32, #tpu.memory_space<vmem>>, vector<16xf32>,
    %add3A_136 = arith.addf %add3A_131, %get3A_135 : vector<16xf32>
    %get3A_137 = arith.constant 7 : i32
    %get3A_138 = arith.index_cast %get3A_137 : i32 to index
    %get3A_139 = arith.constant 0 : index
    %get3A_140 = tpu.vector_load %arg8[%get3A_138, %get3A_139] {strides = array<i32>} : memref<16x128xf32, #tpu.memory_space<vmem>>, vector<16xf32>,
    %add3A_141 = arith.addf %add3A_136, %get3A_140 : vector<16xf32>
    %get3A_142 = arith.constant 8 : i32
    %get3A_143 = arith.index_cast %get3A_142 : i32 to index
    %get3A_144 = arith.constant 0 : index
    %get3A_145 = tpu.vector_load %arg8[%get3A_143, %get3A_144] {strides = array<i32>} : memref<16x128xf32, #tpu.memory_space<vmem>>, vector<16xf32>,
    %add3A_146 = arith.addf %add3A_141, %get3A_145 : vector<16xf32>
    %get3A_147 = arith.constant 9 : i32
    %get3A_148 = arith.index_cast %get3A_147 : i32 to index
    %get3A_149 = arith.constant 0 : index
    %get3A_150 = tpu.vector_load %arg8[%get3A_148, %get3A_149] {strides = array<i32>} : memref<16x128xf32, #tpu.memory_space<vmem>>, vector<16xf32>,
    %add3A_151 = arith.addf %add3A_146, %get3A_150 : vector<16xf32>
    %get3A_152 = arith.constant 10 : i32
    %get3A_153 = arith.index_cast %get3A_152 : i32 to index
    %get3A_154 = arith.constant 0 : index
    %get3A_155 = tpu.vector_load %arg8[%get3A_153, %get3A_154] {strides = array<i32>} : memref<16x128xf32, #tpu.memory_space<vmem>>, vector<16xf32>,
    %add3A_156 = arith.addf %add3A_151, %get3A_155 : vector<16xf32>
    %get3A_157 = arith.constant 11 : i32
    %get3A_158 = arith.index_cast %get3A_157 : i32 to index
    %get3A_159 = arith.constant 0 : index
    %get3A_160 = tpu.vector_load %arg8[%get3A_158, %get3A_159] {strides = array<i32>} : memref<16x128xf32, #tpu.memory_space<vmem>>, vector<16xf32>,
    %add3A_161 = arith.addf %add3A_156, %get3A_160 : vector<16xf32>
    %get3A_162 = arith.constant 12 : i32
    %get3A_163 = arith.index_cast %get3A_162 : i32 to index
    %get3A_164 = arith.constant 0 : index
    %get3A_165 = tpu.vector_load %arg8[%get3A_163, %get3A_164] {strides = array<i32>} : memref<16x128xf32, #tpu.memory_space<vmem>>, vector<16xf32>,
    %add3A_166 = arith.addf %add3A_161, %get3A_165 : vector<16xf32>
    %get3A_167 = arith.constant 13 : i32
    %get3A_168 = arith.index_cast %get3A_167 : i32 to index
    %get3A_169 = arith.constant 0 : index
    %get3A_170 = tpu.vector_load %arg8[%get3A_168, %get3A_169] {strides = array<i32>} : memref<16x128xf32, #tpu.memory_space<vmem>>, vector<16xf32>,
    %add3A_171 = arith.addf %add3A_166, %get3A_170 : vector<16xf32>
    %get3A_172 = arith.constant 14 : i32
    %get3A_173 = arith.index_cast %get3A_172 : i32 to index
    %get3A_174 = arith.constant 0 : index
    %get3A_175 = tpu.vector_load %arg8[%get3A_173, %get3A_174] {strides = array<i32>} : memref<16x128xf32, #tpu.memory_space<vmem>>, vector<16xf32>,
    %add3A_176 = arith.addf %add3A_171, %get3A_175 : vector<16xf32>
    %get3A_177 = arith.constant 15 : i32
    %get3A_178 = arith.index_cast %get3A_177 : i32 to index
    %get3A_179 = arith.constant 0 : index
    %get3A_180 = tpu.vector_load %arg8[%get3A_178, %get3A_179] {strides = array<i32>} : memref<16x128xf32, #tpu.memory_space<vmem>>, vector<16xf32>,
    %add3A_181 = arith.addf %add3A_176, %get3A_180 : vector<16xf32>
    %swap3A = arith.constant 0 : index
    %swap3A_182 = tpu.vector_load %arg9[%swap3A] {strides = array<i32>} : memref<128xf32, #tpu.memory_space<vmem>>, vector<16xf32>,
    tpu.vector_store %arg9[%swap3A], %add3A_181 {strides = array<i32>} : memref<128xf32, #tpu.memory_space<vmem>>, vector<16xf32>,
    %get3A_183 = arith.constant 0 : i32
    %get3A_184 = arith.index_cast %get3A_183 : i32 to index
    %get3A_185 = arith.constant 16 : index
    %get3A_186 = tpu.vector_load %arg8[%get3A_184, %get3A_185] {strides = array<i32>} : memref<16x128xf32, #tpu.memory_space<vmem>>, vector<16xf32>,
    %get3A_187 = arith.constant 1 : i32
    %get3A_188 = arith.index_cast %get3A_187 : i32 to index
    %get3A_189 = arith.constant 16 : index
    %get3A_190 = tpu.vector_load %arg8[%get3A_188, %get3A_189] {strides = array<i32>} : memref<16x128xf32, #tpu.memory_space<vmem>>, vector<16xf32>,
    %add3A_191 = arith.addf %get3A_186, %get3A_190 : vector<16xf32>
    %get3A_192 = arith.constant 2 : i32
    %get3A_193 = arith.index_cast %get3A_192 : i32 to index
    %get3A_194 = arith.constant 16 : index
    %get3A_195 = tpu.vector_load %arg8[%get3A_193, %get3A_194] {strides = array<i32>} : memref<16x128xf32, #tpu.memory_space<vmem>>, vector<16xf32>,
    %add3A_196 = arith.addf %add3A_191, %get3A_195 : vector<16xf32>
    %get3A_197 = arith.constant 3 : i32
    %get3A_198 = arith.index_cast %get3A_197 : i32 to index
    %get3A_199 = arith.constant 16 : index
    %get3A_200 = tpu.vector_load %arg8[%get3A_198, %get3A_199] {strides = array<i32>} : memref<16x128xf32, #tpu.memory_space<vmem>>, vector<16xf32>,
    %add3A_201 = arith.addf %add3A_196, %get3A_200 : vector<16xf32>
    %get3A_202 = arith.constant 4 : i32
    %get3A_203 = arith.index_cast %get3A_202 : i32 to index
    %get3A_204 = arith.constant 16 : index
    %get3A_205 = tpu.vector_load %arg8[%get3A_203, %get3A_204] {strides = array<i32>} : memref<16x128xf32, #tpu.memory_space<vmem>>, vector<16xf32>,
    %add3A_206 = arith.addf %add3A_201, %get3A_205 : vector<16xf32>
    %get3A_207 = arith.constant 5 : i32
    %get3A_208 = arith.index_cast %get3A_207 : i32 to index
    %get3A_209 = arith.constant 16 : index
    %get3A_210 = tpu.vector_load %arg8[%get3A_208, %get3A_209] {strides = array<i32>} : memref<16x128xf32, #tpu.memory_space<vmem>>, vector<16xf32>,
    %add3A_211 = arith.addf %add3A_206, %get3A_210 : vector<16xf32>
    %get3A_212 = arith.constant 6 : i32
    %get3A_213 = arith.index_cast %get3A_212 : i32 to index
    %get3A_214 = arith.constant 16 : index
    %get3A_215 = tpu.vector_load %arg8[%get3A_213, %get3A_214] {strides = array<i32>} : memref<16x128xf32, #tpu.memory_space<vmem>>, vector<16xf32>,
    %add3A_216 = arith.addf %add3A_211, %get3A_215 : vector<16xf32>
    %get3A_217 = arith.constant 7 : i32
    %get3A_218 = arith.index_cast %get3A_217 : i32 to index
    %get3A_219 = arith.constant 16 : index
    %get3A_220 = tpu.vector_load %arg8[%get3A_218, %get3A_219] {strides = array<i32>} : memref<16x128xf32, #tpu.memory_space<vmem>>, vector<16xf32>,
    %add3A_221 = arith.addf %add3A_216, %get3A_220 : vector<16xf32>
    %get3A_222 = arith.constant 8 : i32
    %get3A_223 = arith.index_cast %get3A_222 : i32 to index
    %get3A_224 = arith.constant 16 : index
    %get3A_225 = tpu.vector_load %arg8[%get3A_223, %get3A_224] {strides = array<i32>} : memref<16x128xf32, #tpu.memory_space<vmem>>, vector<16xf32>,
    %add3A_226 = arith.addf %add3A_221, %get3A_225 : vector<16xf32>
    %get3A_227 = arith.constant 9 : i32
    %get3A_228 = arith.index_cast %get3A_227 : i32 to index
    %get3A_229 = arith.constant 16 : index
    %get3A_230 = tpu.vector_load %arg8[%get3A_228, %get3A_229] {strides = array<i32>} : memref<16x128xf32, #tpu.memory_space<vmem>>, vector<16xf32>,
    %add3A_231 = arith.addf %add3A_226, %get3A_230 : vector<16xf32>
    %get3A_232 = arith.constant 10 : i32
    %get3A_233 = arith.index_cast %get3A_232 : i32 to index
    %get3A_234 = arith.constant 16 : index
    %get3A_235 = tpu.vector_load %arg8[%get3A_233, %get3A_234] {strides = array<i32>} : memref<16x128xf32, #tpu.memory_space<vmem>>, vector<16xf32>,
    %add3A_236 = arith.addf %add3A_231, %get3A_235 : vector<16xf32>
    %get3A_237 = arith.constant 11 : i32
    %get3A_238 = arith.index_cast %get3A_237 : i32 to index
    %get3A_239 = arith.constant 16 : index
    %get3A_240 = tpu.vector_load %arg8[%get3A_238, %get3A_239] {strides = array<i32>} : memref<16x128xf32, #tpu.memory_space<vmem>>, vector<16xf32>,
    %add3A_241 = arith.addf %add3A_236, %get3A_240 : vector<16xf32>
    %get3A_242 = arith.constant 12 : i32
    %get3A_243 = arith.index_cast %get3A_242 : i32 to index
    %get3A_244 = arith.constant 16 : index
    %get3A_245 = tpu.vector_load %arg8[%get3A_243, %get3A_244] {strides = array<i32>} : memref<16x128xf32, #tpu.memory_space<vmem>>, vector<16xf32>,
    %add3A_246 = arith.addf %add3A_241, %get3A_245 : vector<16xf32>
    %get3A_247 = arith.constant 13 : i32
    %get3A_248 = arith.index_cast %get3A_247 : i32 to index
    %get3A_249 = arith.constant 16 : index
    %get3A_250 = tpu.vector_load %arg8[%get3A_248, %get3A_249] {strides = array<i32>} : memref<16x128xf32, #tpu.memory_space<vmem>>, vector<16xf32>,
    %add3A_251 = arith.addf %add3A_246, %get3A_250 : vector<16xf32>
    %get3A_252 = arith.constant 14 : i32
    %get3A_253 = arith.index_cast %get3A_252 : i32 to index
    %get3A_254 = arith.constant 16 : index
    %get3A_255 = tpu.vector_load %arg8[%get3A_253, %get3A_254] {strides = array<i32>} : memref<16x128xf32, #tpu.memory_space<vmem>>, vector<16xf32>,
    %add3A_256 = arith.addf %add3A_251, %get3A_255 : vector<16xf32>
    %get3A_257 = arith.constant 15 : i32
    %get3A_258 = arith.index_cast %get3A_257 : i32 to index
    %get3A_259 = arith.constant 16 : index
    %get3A_260 = tpu.vector_load %arg8[%get3A_258, %get3A_259] {strides = array<i32>} : memref<16x128xf32, #tpu.memory_space<vmem>>, vector<16xf32>,
    %add3A_261 = arith.addf %add3A_256, %get3A_260 : vector<16xf32>
    %swap3A_262 = arith.constant 16 : index
    %swap3A_263 = tpu.vector_load %arg9[%swap3A_262] {strides = array<i32>} : memref<128xf32, #tpu.memory_space<vmem>>, vector<16xf32>,
    tpu.vector_store %arg9[%swap3A_262], %add3A_261 {strides = array<i32>} : memref<128xf32, #tpu.memory_space<vmem>>, vector<16xf32>,
    %get3A_264 = arith.constant 0 : i32
    %get3A_265 = arith.index_cast %get3A_264 : i32 to index
    %get3A_266 = arith.constant 32 : index
    %get3A_267 = tpu.vector_load %arg8[%get3A_265, %get3A_266] {strides = array<i32>} : memref<16x128xf32, #tpu.memory_space<vmem>>, vector<16xf32>,
    %get3A_268 = arith.constant 1 : i32
    %get3A_269 = arith.index_cast %get3A_268 : i32 to index
    %get3A_270 = arith.constant 32 : index
    %get3A_271 = tpu.vector_load %arg8[%get3A_269, %get3A_270] {strides = array<i32>} : memref<16x128xf32, #tpu.memory_space<vmem>>, vector<16xf32>,
    %add3A_272 = arith.addf %get3A_267, %get3A_271 : vector<16xf32>
    %get3A_273 = arith.constant 2 : i32
    %get3A_274 = arith.index_cast %get3A_273 : i32 to index
    %get3A_275 = arith.constant 32 : index
    %get3A_276 = tpu.vector_load %arg8[%get3A_274, %get3A_275] {strides = array<i32>} : memref<16x128xf32, #tpu.memory_space<vmem>>, vector<16xf32>,
    %add3A_277 = arith.addf %add3A_272, %get3A_276 : vector<16xf32>
    %get3A_278 = arith.constant 3 : i32
    %get3A_279 = arith.index_cast %get3A_278 : i32 to index
    %get3A_280 = arith.constant 32 : index
    %get3A_281 = tpu.vector_load %arg8[%get3A_279, %get3A_280] {strides = array<i32>} : memref<16x128xf32, #tpu.memory_space<vmem>>, vector<16xf32>,
    %add3A_282 = arith.addf %add3A_277, %get3A_281 : vector<16xf32>
    %get3A_283 = arith.constant 4 : i32
    %get3A_284 = arith.index_cast %get3A_283 : i32 to index
    %get3A_285 = arith.constant 32 : index
    %get3A_286 = tpu.vector_load %arg8[%get3A_284, %get3A_285] {strides = array<i32>} : memref<16x128xf32, #tpu.memory_space<vmem>>, vector<16xf32>,
    %add3A_287 = arith.addf %add3A_282, %get3A_286 : vector<16xf32>
    %get3A_288 = arith.constant 5 : i32
    %get3A_289 = arith.index_cast %get3A_288 : i32 to index
    %get3A_290 = arith.constant 32 : index
    %get3A_291 = tpu.vector_load %arg8[%get3A_289, %get3A_290] {strides = array<i32>} : memref<16x128xf32, #tpu.memory_space<vmem>>, vector<16xf32>,
    %add3A_292 = arith.addf %add3A_287, %get3A_291 : vector<16xf32>
    %get3A_293 = arith.constant 6 : i32
    %get3A_294 = arith.index_cast %get3A_293 : i32 to index
    %get3A_295 = arith.constant 32 : index
    %get3A_296 = tpu.vector_load %arg8[%get3A_294, %get3A_295] {strides = array<i32>} : memref<16x128xf32, #tpu.memory_space<vmem>>, vector<16xf32>,
    %add3A_297 = arith.addf %add3A_292, %get3A_296 : vector<16xf32>
    %get3A_298 = arith.constant 7 : i32
    %get3A_299 = arith.index_cast %get3A_298 : i32 to index
    %get3A_300 = arith.constant 32 : index
    %get3A_301 = tpu.vector_load %arg8[%get3A_299, %get3A_300] {strides = array<i32>} : memref<16x128xf32, #tpu.memory_space<vmem>>, vector<16xf32>,
    %add3A_302 = arith.addf %add3A_297, %get3A_301 : vector<16xf32>
    %get3A_303 = arith.constant 8 : i32
    %get3A_304 = arith.index_cast %get3A_303 : i32 to index
    %get3A_305 = arith.constant 32 : index
    %get3A_306 = tpu.vector_load %arg8[%get3A_304, %get3A_305] {strides = array<i32>} : memref<16x128xf32, #tpu.memory_space<vmem>>, vector<16xf32>,
    %add3A_307 = arith.addf %add3A_302, %get3A_306 : vector<16xf32>
    %get3A_308 = arith.constant 9 : i32
    %get3A_309 = arith.index_cast %get3A_308 : i32 to index
    %get3A_310 = arith.constant 32 : index
    %get3A_311 = tpu.vector_load %arg8[%get3A_309, %get3A_310] {strides = array<i32>} : memref<16x128xf32, #tpu.memory_space<vmem>>, vector<16xf32>,
    %add3A_312 = arith.addf %add3A_307, %get3A_311 : vector<16xf32>
    %get3A_313 = arith.constant 10 : i32
    %get3A_314 = arith.index_cast %get3A_313 : i32 to index
    %get3A_315 = arith.constant 32 : index
    %get3A_316 = tpu.vector_load %arg8[%get3A_314, %get3A_315] {strides = array<i32>} : memref<16x128xf32, #tpu.memory_space<vmem>>, vector<16xf32>,
    %add3A_317 = arith.addf %add3A_312, %get3A_316 : vector<16xf32>
    %get3A_318 = arith.constant 11 : i32
    %get3A_319 = arith.index_cast %get3A_318 : i32 to index
    %get3A_320 = arith.constant 32 : index
    %get3A_321 = tpu.vector_load %arg8[%get3A_319, %get3A_320] {strides = array<i32>} : memref<16x128xf32, #tpu.memory_space<vmem>>, vector<16xf32>,
    %add3A_322 = arith.addf %add3A_317, %get3A_321 : vector<16xf32>
    %get3A_323 = arith.constant 12 : i32
    %get3A_324 = arith.index_cast %get3A_323 : i32 to index
    %get3A_325 = arith.constant 32 : index
    %get3A_326 = tpu.vector_load %arg8[%get3A_324, %get3A_325] {strides = array<i32>} : memref<16x128xf32, #tpu.memory_space<vmem>>, vector<16xf32>,
    %add3A_327 = arith.addf %add3A_322, %get3A_326 : vector<16xf32>
    %get3A_328 = arith.constant 13 : i32
    %get3A_329 = arith.index_cast %get3A_328 : i32 to index
    %get3A_330 = arith.constant 32 : index
    %get3A_331 = tpu.vector_load %arg8[%get3A_329, %get3A_330] {strides = array<i32>} : memref<16x128xf32, #tpu.memory_space<vmem>>, vector<16xf32>,
    %add3A_332 = arith.addf %add3A_327, %get3A_331 : vector<16xf32>
    %get3A_333 = arith.constant 14 : i32
    %get3A_334 = arith.index_cast %get3A_333 : i32 to index
    %get3A_335 = arith.constant 32 : index
    %get3A_336 = tpu.vector_load %arg8[%get3A_334, %get3A_335] {strides = array<i32>} : memref<16x128xf32, #tpu.memory_space<vmem>>, vector<16xf32>,
    %add3A_337 = arith.addf %add3A_332, %get3A_336 : vector<16xf32>
    %get3A_338 = arith.constant 15 : i32
    %get3A_339 = arith.index_cast %get3A_338 : i32 to index
    %get3A_340 = arith.constant 32 : index
    %get3A_341 = tpu.vector_load %arg8[%get3A_339, %get3A_340] {strides = array<i32>} : memref<16x128xf32, #tpu.memory_space<vmem>>, vector<16xf32>,
    %add3A_342 = arith.addf %add3A_337, %get3A_341 : vector<16xf32>
    %swap3A_343 = arith.constant 32 : index
    %swap3A_344 = tpu.vector_load %arg9[%swap3A_343] {strides = array<i32>} : memref<128xf32, #tpu.memory_space<vmem>>, vector<16xf32>,
    tpu.vector_store %arg9[%swap3A_343], %add3A_342 {strides = array<i32>} : memref<128xf32, #tpu.memory_space<vmem>>, vector<16xf32>,
    %get3A_345 = arith.constant 0 : i32
    %get3A_346 = arith.index_cast %get3A_345 : i32 to index
    %get3A_347 = arith.constant 48 : index
    %get3A_348 = tpu.vector_load %arg8[%get3A_346, %get3A_347] {strides = array<i32>} : memref<16x128xf32, #tpu.memory_space<vmem>>, vector<16xf32>,
    %get3A_349 = arith.constant 1 : i32
    %get3A_350 = arith.index_cast %get3A_349 : i32 to index
    %get3A_351 = arith.constant 48 : index
    %get3A_352 = tpu.vector_load %arg8[%get3A_350, %get3A_351] {strides = array<i32>} : memref<16x128xf32, #tpu.memory_space<vmem>>, vector<16xf32>,
    %add3A_353 = arith.addf %get3A_348, %get3A_352 : vector<16xf32>
    %get3A_354 = arith.constant 2 : i32
    %get3A_355 = arith.index_cast %get3A_354 : i32 to index
    %get3A_356 = arith.constant 48 : index
    %get3A_357 = tpu.vector_load %arg8[%get3A_355, %get3A_356] {strides = array<i32>} : memref<16x128xf32, #tpu.memory_space<vmem>>, vector<16xf32>,
    %add3A_358 = arith.addf %add3A_353, %get3A_357 : vector<16xf32>
    %get3A_359 = arith.constant 3 : i32
    %get3A_360 = arith.index_cast %get3A_359 : i32 to index
    %get3A_361 = arith.constant 48 : index
    %get3A_362 = tpu.vector_load %arg8[%get3A_360, %get3A_361] {strides = array<i32>} : memref<16x128xf32, #tpu.memory_space<vmem>>, vector<16xf32>,
    %add3A_363 = arith.addf %add3A_358, %get3A_362 : vector<16xf32>
    %get3A_364 = arith.constant 4 : i32
    %get3A_365 = arith.index_cast %get3A_364 : i32 to index
    %get3A_366 = arith.constant 48 : index
    %get3A_367 = tpu.vector_load %arg8[%get3A_365, %get3A_366] {strides = array<i32>} : memref<16x128xf32, #tpu.memory_space<vmem>>, vector<16xf32>,
    %add3A_368 = arith.addf %add3A_363, %get3A_367 : vector<16xf32>
    %get3A_369 = arith.constant 5 : i32
    %get3A_370 = arith.index_cast %get3A_369 : i32 to index
    %get3A_371 = arith.constant 48 : index
    %get3A_372 = tpu.vector_load %arg8[%get3A_370, %get3A_371] {strides = array<i32>} : memref<16x128xf32, #tpu.memory_space<vmem>>, vector<16xf32>,
    %add3A_373 = arith.addf %add3A_368, %get3A_372 : vector<16xf32>
    %get3A_374 = arith.constant 6 : i32
    %get3A_375 = arith.index_cast %get3A_374 : i32 to index
    %get3A_376 = arith.constant 48 : index
    %get3A_377 = tpu.vector_load %arg8[%get3A_375, %get3A_376] {strides = array<i32>} : memref<16x128xf32, #tpu.memory_space<vmem>>, vector<16xf32>,
    %add3A_378 = arith.addf %add3A_373, %get3A_377 : vector<16xf32>
    %get3A_379 = arith.constant 7 : i32
    %get3A_380 = arith.index_cast %get3A_379 : i32 to index
    %get3A_381 = arith.constant 48 : index
    %get3A_382 = tpu.vector_load %arg8[%get3A_380, %get3A_381] {strides = array<i32>} : memref<16x128xf32, #tpu.memory_space<vmem>>, vector<16xf32>,
    %add3A_383 = arith.addf %add3A_378, %get3A_382 : vector<16xf32>
    %get3A_384 = arith.constant 8 : i32
    %get3A_385 = arith.index_cast %get3A_384 : i32 to index
    %get3A_386 = arith.constant 48 : index
    %get3A_387 = tpu.vector_load %arg8[%get3A_385, %get3A_386] {strides = array<i32>} : memref<16x128xf32, #tpu.memory_space<vmem>>, vector<16xf32>,
    %add3A_388 = arith.addf %add3A_383, %get3A_387 : vector<16xf32>
    %get3A_389 = arith.constant 9 : i32
    %get3A_390 = arith.index_cast %get3A_389 : i32 to index
    %get3A_391 = arith.constant 48 : index
    %get3A_392 = tpu.vector_load %arg8[%get3A_390, %get3A_391] {strides = array<i32>} : memref<16x128xf32, #tpu.memory_space<vmem>>, vector<16xf32>,
    %add3A_393 = arith.addf %add3A_388, %get3A_392 : vector<16xf32>
    %get3A_394 = arith.constant 10 : i32
    %get3A_395 = arith.index_cast %get3A_394 : i32 to index
    %get3A_396 = arith.constant 48 : index
    %get3A_397 = tpu.vector_load %arg8[%get3A_395, %get3A_396] {strides = array<i32>} : memref<16x128xf32, #tpu.memory_space<vmem>>, vector<16xf32>,
    %add3A_398 = arith.addf %add3A_393, %get3A_397 : vector<16xf32>
    %get3A_399 = arith.constant 11 : i32
    %get3A_400 = arith.index_cast %get3A_399 : i32 to index
    %get3A_401 = arith.constant 48 : index
    %get3A_402 = tpu.vector_load %arg8[%get3A_400, %get3A_401] {strides = array<i32>} : memref<16x128xf32, #tpu.memory_space<vmem>>, vector<16xf32>,
    %add3A_403 = arith.addf %add3A_398, %get3A_402 : vector<16xf32>
    %get3A_404 = arith.constant 12 : i32
    %get3A_405 = arith.index_cast %get3A_404 : i32 to index
    %get3A_406 = arith.constant 48 : index
    %get3A_407 = tpu.vector_load %arg8[%get3A_405, %get3A_406] {strides = array<i32>} : memref<16x128xf32, #tpu.memory_space<vmem>>, vector<16xf32>,
    %add3A_408 = arith.addf %add3A_403, %get3A_407 : vector<16xf32>
    %get3A_409 = arith.constant 13 : i32
    %get3A_410 = arith.index_cast %get3A_409 : i32 to index
    %get3A_411 = arith.constant 48 : index
    %get3A_412 = tpu.vector_load %arg8[%get3A_410, %get3A_411] {strides = array<i32>} : memref<16x128xf32, #tpu.memory_space<vmem>>, vector<16xf32>,
    %add3A_413 = arith.addf %add3A_408, %get3A_412 : vector<16xf32>
    %get3A_414 = arith.constant 14 : i32
    %get3A_415 = arith.index_cast %get3A_414 : i32 to index
    %get3A_416 = arith.constant 48 : index
    %get3A_417 = tpu.vector_load %arg8[%get3A_415, %get3A_416] {strides = array<i32>} : memref<16x128xf32, #tpu.memory_space<vmem>>, vector<16xf32>,
    %add3A_418 = arith.addf %add3A_413, %get3A_417 : vector<16xf32>
    %get3A_419 = arith.constant 15 : i32
    %get3A_420 = arith.index_cast %get3A_419 : i32 to index
    %get3A_421 = arith.constant 48 : index
    %get3A_422 = tpu.vector_load %arg8[%get3A_420, %get3A_421] {strides = array<i32>} : memref<16x128xf32, #tpu.memory_space<vmem>>, vector<16xf32>,
    %add3A_423 = arith.addf %add3A_418, %get3A_422 : vector<16xf32>
    %swap3A_424 = arith.constant 48 : index
    %swap3A_425 = tpu.vector_load %arg9[%swap3A_424] {strides = array<i32>} : memref<128xf32, #tpu.memory_space<vmem>>, vector<16xf32>,
    tpu.vector_store %arg9[%swap3A_424], %add3A_423 {strides = array<i32>} : memref<128xf32, #tpu.memory_space<vmem>>, vector<16xf32>,
    %get3A_426 = arith.constant 0 : i32
    %get3A_427 = arith.index_cast %get3A_426 : i32 to index
    %get3A_428 = arith.constant 64 : index
    %get3A_429 = tpu.vector_load %arg8[%get3A_427, %get3A_428] {strides = array<i32>} : memref<16x128xf32, #tpu.memory_space<vmem>>, vector<16xf32>,
    %get3A_430 = arith.constant 1 : i32
    %get3A_431 = arith.index_cast %get3A_430 : i32 to index
    %get3A_432 = arith.constant 64 : index
    %get3A_433 = tpu.vector_load %arg8[%get3A_431, %get3A_432] {strides = array<i32>} : memref<16x128xf32, #tpu.memory_space<vmem>>, vector<16xf32>,
    %add3A_434 = arith.addf %get3A_429, %get3A_433 : vector<16xf32>
    %get3A_435 = arith.constant 2 : i32
    %get3A_436 = arith.index_cast %get3A_435 : i32 to index
    %get3A_437 = arith.constant 64 : index
    %get3A_438 = tpu.vector_load %arg8[%get3A_436, %get3A_437] {strides = array<i32>} : memref<16x128xf32, #tpu.memory_space<vmem>>, vector<16xf32>,
    %add3A_439 = arith.addf %add3A_434, %get3A_438 : vector<16xf32>
    %get3A_440 = arith.constant 3 : i32
    %get3A_441 = arith.index_cast %get3A_440 : i32 to index
    %get3A_442 = arith.constant 64 : index
    %get3A_443 = tpu.vector_load %arg8[%get3A_441, %get3A_442] {strides = array<i32>} : memref<16x128xf32, #tpu.memory_space<vmem>>, vector<16xf32>,
    %add3A_444 = arith.addf %add3A_439, %get3A_443 : vector<16xf32>
    %get3A_445 = arith.constant 4 : i32
    %get3A_446 = arith.index_cast %get3A_445 : i32 to index
    %get3A_447 = arith.constant 64 : index
    %get3A_448 = tpu.vector_load %arg8[%get3A_446, %get3A_447] {strides = array<i32>} : memref<16x128xf32, #tpu.memory_space<vmem>>, vector<16xf32>,
    %add3A_449 = arith.addf %add3A_444, %get3A_448 : vector<16xf32>
    %get3A_450 = arith.constant 5 : i32
    %get3A_451 = arith.index_cast %get3A_450 : i32 to index
    %get3A_452 = arith.constant 64 : index
    %get3A_453 = tpu.vector_load %arg8[%get3A_451, %get3A_452] {strides = array<i32>} : memref<16x128xf32, #tpu.memory_space<vmem>>, vector<16xf32>,
    %add3A_454 = arith.addf %add3A_449, %get3A_453 : vector<16xf32>
    %get3A_455 = arith.constant 6 : i32
    %get3A_456 = arith.index_cast %get3A_455 : i32 to index
    %get3A_457 = arith.constant 64 : index
    %get3A_458 = tpu.vector_load %arg8[%get3A_456, %get3A_457] {strides = array<i32>} : memref<16x128xf32, #tpu.memory_space<vmem>>, vector<16xf32>,
    %add3A_459 = arith.addf %add3A_454, %get3A_458 : vector<16xf32>
    %get3A_460 = arith.constant 7 : i32
    %get3A_461 = arith.index_cast %get3A_460 : i32 to index
    %get3A_462 = arith.constant 64 : index
    %get3A_463 = tpu.vector_load %arg8[%get3A_461, %get3A_462] {strides = array<i32>} : memref<16x128xf32, #tpu.memory_space<vmem>>, vector<16xf32>,
    %add3A_464 = arith.addf %add3A_459, %get3A_463 : vector<16xf32>
    %get3A_465 = arith.constant 8 : i32
    %get3A_466 = arith.index_cast %get3A_465 : i32 to index
    %get3A_467 = arith.constant 64 : index
    %get3A_468 = tpu.vector_load %arg8[%get3A_466, %get3A_467] {strides = array<i32>} : memref<16x128xf32, #tpu.memory_space<vmem>>, vector<16xf32>,
    %add3A_469 = arith.addf %add3A_464, %get3A_468 : vector<16xf32>
    %get3A_470 = arith.constant 9 : i32
    %get3A_471 = arith.index_cast %get3A_470 : i32 to index
    %get3A_472 = arith.constant 64 : index
    %get3A_473 = tpu.vector_load %arg8[%get3A_471, %get3A_472] {strides = array<i32>} : memref<16x128xf32, #tpu.memory_space<vmem>>, vector<16xf32>,
    %add3A_474 = arith.addf %add3A_469, %get3A_473 : vector<16xf32>
    %get3A_475 = arith.constant 10 : i32
    %get3A_476 = arith.index_cast %get3A_475 : i32 to index
    %get3A_477 = arith.constant 64 : index
    %get3A_478 = tpu.vector_load %arg8[%get3A_476, %get3A_477] {strides = array<i32>} : memref<16x128xf32, #tpu.memory_space<vmem>>, vector<16xf32>,
    %add3A_479 = arith.addf %add3A_474, %get3A_478 : vector<16xf32>
    %get3A_480 = arith.constant 11 : i32
    %get3A_481 = arith.index_cast %get3A_480 : i32 to index
    %get3A_482 = arith.constant 64 : index
    %get3A_483 = tpu.vector_load %arg8[%get3A_481, %get3A_482] {strides = array<i32>} : memref<16x128xf32, #tpu.memory_space<vmem>>, vector<16xf32>,
    %add3A_484 = arith.addf %add3A_479, %get3A_483 : vector<16xf32>
    %get3A_485 = arith.constant 12 : i32
    %get3A_486 = arith.index_cast %get3A_485 : i32 to index
    %get3A_487 = arith.constant 64 : index
    %get3A_488 = tpu.vector_load %arg8[%get3A_486, %get3A_487] {strides = array<i32>} : memref<16x128xf32, #tpu.memory_space<vmem>>, vector<16xf32>,
    %add3A_489 = arith.addf %add3A_484, %get3A_488 : vector<16xf32>
    %get3A_490 = arith.constant 13 : i32
    %get3A_491 = arith.index_cast %get3A_490 : i32 to index
    %get3A_492 = arith.constant 64 : index
    %get3A_493 = tpu.vector_load %arg8[%get3A_491, %get3A_492] {strides = array<i32>} : memref<16x128xf32, #tpu.memory_space<vmem>>, vector<16xf32>,
    %add3A_494 = arith.addf %add3A_489, %get3A_493 : vector<16xf32>
    %get3A_495 = arith.constant 14 : i32
    %get3A_496 = arith.index_cast %get3A_495 : i32 to index
    %get3A_497 = arith.constant 64 : index
    %get3A_498 = tpu.vector_load %arg8[%get3A_496, %get3A_497] {strides = array<i32>} : memref<16x128xf32, #tpu.memory_space<vmem>>, vector<16xf32>,
    %add3A_499 = arith.addf %add3A_494, %get3A_498 : vector<16xf32>
    %get3A_500 = arith.constant 15 : i32
    %get3A_501 = arith.index_cast %get3A_500 : i32 to index
    %get3A_502 = arith.constant 64 : index
    %get3A_503 = tpu.vector_load %arg8[%get3A_501, %get3A_502] {strides = array<i32>} : memref<16x128xf32, #tpu.memory_space<vmem>>, vector<16xf32>,
    %add3A_504 = arith.addf %add3A_499, %get3A_503 : vector<16xf32>
    %swap3A_505 = arith.constant 64 : index
    %swap3A_506 = tpu.vector_load %arg9[%swap3A_505] {strides = array<i32>} : memref<128xf32, #tpu.memory_space<vmem>>, vector<16xf32>,
    tpu.vector_store %arg9[%swap3A_505], %add3A_504 {strides = array<i32>} : memref<128xf32, #tpu.memory_space<vmem>>, vector<16xf32>,
    %get3A_507 = arith.constant 0 : i32
    %get3A_508 = arith.index_cast %get3A_507 : i32 to index
    %get3A_509 = arith.constant 80 : index
    %get3A_510 = tpu.vector_load %arg8[%get3A_508, %get3A_509] {strides = array<i32>} : memref<16x128xf32, #tpu.memory_space<vmem>>, vector<16xf32>,
    %get3A_511 = arith.constant 1 : i32
    %get3A_512 = arith.index_cast %get3A_511 : i32 to index
    %get3A_513 = arith.constant 80 : index
    %get3A_514 = tpu.vector_load %arg8[%get3A_512, %get3A_513] {strides = array<i32>} : memref<16x128xf32, #tpu.memory_space<vmem>>, vector<16xf32>,
    %add3A_515 = arith.addf %get3A_510, %get3A_514 : vector<16xf32>
    %get3A_516 = arith.constant 2 : i32
    %get3A_517 = arith.index_cast %get3A_516 : i32 to index
    %get3A_518 = arith.constant 80 : index
    %get3A_519 = tpu.vector_load %arg8[%get3A_517, %get3A_518] {strides = array<i32>} : memref<16x128xf32, #tpu.memory_space<vmem>>, vector<16xf32>,
    %add3A_520 = arith.addf %add3A_515, %get3A_519 : vector<16xf32>
    %get3A_521 = arith.constant 3 : i32
    %get3A_522 = arith.index_cast %get3A_521 : i32 to index
    %get3A_523 = arith.constant 80 : index
    %get3A_524 = tpu.vector_load %arg8[%get3A_522, %get3A_523] {strides = array<i32>} : memref<16x128xf32, #tpu.memory_space<vmem>>, vector<16xf32>,
    %add3A_525 = arith.addf %add3A_520, %get3A_524 : vector<16xf32>
    %get3A_526 = arith.constant 4 : i32
    %get3A_527 = arith.index_cast %get3A_526 : i32 to index
    %get3A_528 = arith.constant 80 : index
    %get3A_529 = tpu.vector_load %arg8[%get3A_527, %get3A_528] {strides = array<i32>} : memref<16x128xf32, #tpu.memory_space<vmem>>, vector<16xf32>,
    %add3A_530 = arith.addf %add3A_525, %get3A_529 : vector<16xf32>
    %get3A_531 = arith.constant 5 : i32
    %get3A_532 = arith.index_cast %get3A_531 : i32 to index
    %get3A_533 = arith.constant 80 : index
    %get3A_534 = tpu.vector_load %arg8[%get3A_532, %get3A_533] {strides = array<i32>} : memref<16x128xf32, #tpu.memory_space<vmem>>, vector<16xf32>,
    %add3A_535 = arith.addf %add3A_530, %get3A_534 : vector<16xf32>
    %get3A_536 = arith.constant 6 : i32
    %get3A_537 = arith.index_cast %get3A_536 : i32 to index
    %get3A_538 = arith.constant 80 : index
    %get3A_539 = tpu.vector_load %arg8[%get3A_537, %get3A_538] {strides = array<i32>} : memref<16x128xf32, #tpu.memory_space<vmem>>, vector<16xf32>,
    %add3A_540 = arith.addf %add3A_535, %get3A_539 : vector<16xf32>
    %get3A_541 = arith.constant 7 : i32
    %get3A_542 = arith.index_cast %get3A_541 : i32 to index
    %get3A_543 = arith.constant 80 : index
    %get3A_544 = tpu.vector_load %arg8[%get3A_542, %get3A_543] {strides = array<i32>} : memref<16x128xf32, #tpu.memory_space<vmem>>, vector<16xf32>,
    %add3A_545 = arith.addf %add3A_540, %get3A_544 : vector<16xf32>
    %get3A_546 = arith.constant 8 : i32
    %get3A_547 = arith.index_cast %get3A_546 : i32 to index
    %get3A_548 = arith.constant 80 : index
    %get3A_549 = tpu.vector_load %arg8[%get3A_547, %get3A_548] {strides = array<i32>} : memref<16x128xf32, #tpu.memory_space<vmem>>, vector<16xf32>,
    %add3A_550 = arith.addf %add3A_545, %get3A_549 : vector<16xf32>
    %get3A_551 = arith.constant 9 : i32
    %get3A_552 = arith.index_cast %get3A_551 : i32 to index
    %get3A_553 = arith.constant 80 : index
    %get3A_554 = tpu.vector_load %arg8[%get3A_552, %get3A_553] {strides = array<i32>} : memref<16x128xf32, #tpu.memory_space<vmem>>, vector<16xf32>,
    %add3A_555 = arith.addf %add3A_550, %get3A_554 : vector<16xf32>
    %get3A_556 = arith.constant 10 : i32
    %get3A_557 = arith.index_cast %get3A_556 : i32 to index
    %get3A_558 = arith.constant 80 : index
    %get3A_559 = tpu.vector_load %arg8[%get3A_557, %get3A_558] {strides = array<i32>} : memref<16x128xf32, #tpu.memory_space<vmem>>, vector<16xf32>,
    %add3A_560 = arith.addf %add3A_555, %get3A_559 : vector<16xf32>
    %get3A_561 = arith.constant 11 : i32
    %get3A_562 = arith.index_cast %get3A_561 : i32 to index
    %get3A_563 = arith.constant 80 : index
    %get3A_564 = tpu.vector_load %arg8[%get3A_562, %get3A_563] {strides = array<i32>} : memref<16x128xf32, #tpu.memory_space<vmem>>, vector<16xf32>,
    %add3A_565 = arith.addf %add3A_560, %get3A_564 : vector<16xf32>
    %get3A_566 = arith.constant 12 : i32
    %get3A_567 = arith.index_cast %get3A_566 : i32 to index
    %get3A_568 = arith.constant 80 : index
    %get3A_569 = tpu.vector_load %arg8[%get3A_567, %get3A_568] {strides = array<i32>} : memref<16x128xf32, #tpu.memory_space<vmem>>, vector<16xf32>,
    %add3A_570 = arith.addf %add3A_565, %get3A_569 : vector<16xf32>
    %get3A_571 = arith.constant 13 : i32
    %get3A_572 = arith.index_cast %get3A_571 : i32 to index
    %get3A_573 = arith.constant 80 : index
    %get3A_574 = tpu.vector_load %arg8[%get3A_572, %get3A_573] {strides = array<i32>} : memref<16x128xf32, #tpu.memory_space<vmem>>, vector<16xf32>,
    %add3A_575 = arith.addf %add3A_570, %get3A_574 : vector<16xf32>
    %get3A_576 = arith.constant 14 : i32
    %get3A_577 = arith.index_cast %get3A_576 : i32 to index
    %get3A_578 = arith.constant 80 : index
    %get3A_579 = tpu.vector_load %arg8[%get3A_577, %get3A_578] {strides = array<i32>} : memref<16x128xf32, #tpu.memory_space<vmem>>, vector<16xf32>,
    %add3A_580 = arith.addf %add3A_575, %get3A_579 : vector<16xf32>
    %get3A_581 = arith.constant 15 : i32
    %get3A_582 = arith.index_cast %get3A_581 : i32 to index
    %get3A_583 = arith.constant 80 : index
    %get3A_584 = tpu.vector_load %arg8[%get3A_582, %get3A_583] {strides = array<i32>} : memref<16x128xf32, #tpu.memory_space<vmem>>, vector<16xf32>,
    %add3A_585 = arith.addf %add3A_580, %get3A_584 : vector<16xf32>
    %swap3A_586 = arith.constant 80 : index
    %swap3A_587 = tpu.vector_load %arg9[%swap3A_586] {strides = array<i32>} : memref<128xf32, #tpu.memory_space<vmem>>, vector<16xf32>,
    tpu.vector_store %arg9[%swap3A_586], %add3A_585 {strides = array<i32>} : memref<128xf32, #tpu.memory_space<vmem>>, vector<16xf32>,
    %get3A_588 = arith.constant 0 : i32
    %get3A_589 = arith.index_cast %get3A_588 : i32 to index
    %get3A_590 = arith.constant 96 : index
    %get3A_591 = tpu.vector_load %arg8[%get3A_589, %get3A_590] {strides = array<i32>} : memref<16x128xf32, #tpu.memory_space<vmem>>, vector<16xf32>,
    %get3A_592 = arith.constant 1 : i32
    %get3A_593 = arith.index_cast %get3A_592 : i32 to index
    %get3A_594 = arith.constant 96 : index
    %get3A_595 = tpu.vector_load %arg8[%get3A_593, %get3A_594] {strides = array<i32>} : memref<16x128xf32, #tpu.memory_space<vmem>>, vector<16xf32>,
    %add3A_596 = arith.addf %get3A_591, %get3A_595 : vector<16xf32>
    %get3A_597 = arith.constant 2 : i32
    %get3A_598 = arith.index_cast %get3A_597 : i32 to index
    %get3A_599 = arith.constant 96 : index
    %get3A_600 = tpu.vector_load %arg8[%get3A_598, %get3A_599] {strides = array<i32>} : memref<16x128xf32, #tpu.memory_space<vmem>>, vector<16xf32>,
    %add3A_601 = arith.addf %add3A_596, %get3A_600 : vector<16xf32>
    %get3A_602 = arith.constant 3 : i32
    %get3A_603 = arith.index_cast %get3A_602 : i32 to index
    %get3A_604 = arith.constant 96 : index
    %get3A_605 = tpu.vector_load %arg8[%get3A_603, %get3A_604] {strides = array<i32>} : memref<16x128xf32, #tpu.memory_space<vmem>>, vector<16xf32>,
    %add3A_606 = arith.addf %add3A_601, %get3A_605 : vector<16xf32>
    %get3A_607 = arith.constant 4 : i32
    %get3A_608 = arith.index_cast %get3A_607 : i32 to index
    %get3A_609 = arith.constant 96 : index
    %get3A_610 = tpu.vector_load %arg8[%get3A_608, %get3A_609] {strides = array<i32>} : memref<16x128xf32, #tpu.memory_space<vmem>>, vector<16xf32>,
    %add3A_611 = arith.addf %add3A_606, %get3A_610 : vector<16xf32>
    %get3A_612 = arith.constant 5 : i32
    %get3A_613 = arith.index_cast %get3A_612 : i32 to index
    %get3A_614 = arith.constant 96 : index
    %get3A_615 = tpu.vector_load %arg8[%get3A_613, %get3A_614] {strides = array<i32>} : memref<16x128xf32, #tpu.memory_space<vmem>>, vector<16xf32>,
    %add3A_616 = arith.addf %add3A_611, %get3A_615 : vector<16xf32>
    %get3A_617 = arith.constant 6 : i32
    %get3A_618 = arith.index_cast %get3A_617 : i32 to index
    %get3A_619 = arith.constant 96 : index
    %get3A_620 = tpu.vector_load %arg8[%get3A_618, %get3A_619] {strides = array<i32>} : memref<16x128xf32, #tpu.memory_space<vmem>>, vector<16xf32>,
    %add3A_621 = arith.addf %add3A_616, %get3A_620 : vector<16xf32>
    %get3A_622 = arith.constant 7 : i32
    %get3A_623 = arith.index_cast %get3A_622 : i32 to index
    %get3A_624 = arith.constant 96 : index
    %get3A_625 = tpu.vector_load %arg8[%get3A_623, %get3A_624] {strides = array<i32>} : memref<16x128xf32, #tpu.memory_space<vmem>>, vector<16xf32>,
    %add3A_626 = arith.addf %add3A_621, %get3A_625 : vector<16xf32>
    %get3A_627 = arith.constant 8 : i32
    %get3A_628 = arith.index_cast %get3A_627 : i32 to index
    %get3A_629 = arith.constant 96 : index
    %get3A_630 = tpu.vector_load %arg8[%get3A_628, %get3A_629] {strides = array<i32>} : memref<16x128xf32, #tpu.memory_space<vmem>>, vector<16xf32>,
    %add3A_631 = arith.addf %add3A_626, %get3A_630 : vector<16xf32>
    %get3A_632 = arith.constant 9 : i32
    %get3A_633 = arith.index_cast %get3A_632 : i32 to index
    %get3A_634 = arith.constant 96 : index
    %get3A_635 = tpu.vector_load %arg8[%get3A_633, %get3A_634] {strides = array<i32>} : memref<16x128xf32, #tpu.memory_space<vmem>>, vector<16xf32>,
    %add3A_636 = arith.addf %add3A_631, %get3A_635 : vector<16xf32>
    %get3A_637 = arith.constant 10 : i32
    %get3A_638 = arith.index_cast %get3A_637 : i32 to index
    %get3A_639 = arith.constant 96 : index
    %get3A_640 = tpu.vector_load %arg8[%get3A_638, %get3A_639] {strides = array<i32>} : memref<16x128xf32, #tpu.memory_space<vmem>>, vector<16xf32>,
    %add3A_641 = arith.addf %add3A_636, %get3A_640 : vector<16xf32>
    %get3A_642 = arith.constant 11 : i32
    %get3A_643 = arith.index_cast %get3A_642 : i32 to index
    %get3A_644 = arith.constant 96 : index
    %get3A_645 = tpu.vector_load %arg8[%get3A_643, %get3A_644] {strides = array<i32>} : memref<16x128xf32, #tpu.memory_space<vmem>>, vector<16xf32>,
    %add3A_646 = arith.addf %add3A_641, %get3A_645 : vector<16xf32>
    %get3A_647 = arith.constant 12 : i32
    %get3A_648 = arith.index_cast %get3A_647 : i32 to index
    %get3A_649 = arith.constant 96 : index
    %get3A_650 = tpu.vector_load %arg8[%get3A_648, %get3A_649] {strides = array<i32>} : memref<16x128xf32, #tpu.memory_space<vmem>>, vector<16xf32>,
    %add3A_651 = arith.addf %add3A_646, %get3A_650 : vector<16xf32>
    %get3A_652 = arith.constant 13 : i32
    %get3A_653 = arith.index_cast %get3A_652 : i32 to index
    %get3A_654 = arith.constant 96 : index
    %get3A_655 = tpu.vector_load %arg8[%get3A_653, %get3A_654] {strides = array<i32>} : memref<16x128xf32, #tpu.memory_space<vmem>>, vector<16xf32>,
    %add3A_656 = arith.addf %add3A_651, %get3A_655 : vector<16xf32>
    %get3A_657 = arith.constant 14 : i32
    %get3A_658 = arith.index_cast %get3A_657 : i32 to index
    %get3A_659 = arith.constant 96 : index
    %get3A_660 = tpu.vector_load %arg8[%get3A_658, %get3A_659] {strides = array<i32>} : memref<16x128xf32, #tpu.memory_space<vmem>>, vector<16xf32>,
    %add3A_661 = arith.addf %add3A_656, %get3A_660 : vector<16xf32>
    %get3A_662 = arith.constant 15 : i32
    %get3A_663 = arith.index_cast %get3A_662 : i32 to index
    %get3A_664 = arith.constant 96 : index
    %get3A_665 = tpu.vector_load %arg8[%get3A_663, %get3A_664] {strides = array<i32>} : memref<16x128xf32, #tpu.memory_space<vmem>>, vector<16xf32>,
    %add3A_666 = arith.addf %add3A_661, %get3A_665 : vector<16xf32>
    %swap3A_667 = arith.constant 96 : index
    %swap3A_668 = tpu.vector_load %arg9[%swap3A_667] {strides = array<i32>} : memref<128xf32, #tpu.memory_space<vmem>>, vector<16xf32>,
    tpu.vector_store %arg9[%swap3A_667], %add3A_666 {strides = array<i32>} : memref<128xf32, #tpu.memory_space<vmem>>, vector<16xf32>,
    %get3A_669 = arith.constant 0 : i32
    %get3A_670 = arith.index_cast %get3A_669 : i32 to index
    %get3A_671 = arith.constant 112 : index
    %get3A_672 = tpu.vector_load %arg8[%get3A_670, %get3A_671] {strides = array<i32>} : memref<16x128xf32, #tpu.memory_space<vmem>>, vector<16xf32>,
    %get3A_673 = arith.constant 1 : i32
    %get3A_674 = arith.index_cast %get3A_673 : i32 to index
    %get3A_675 = arith.constant 112 : index
    %get3A_676 = tpu.vector_load %arg8[%get3A_674, %get3A_675] {strides = array<i32>} : memref<16x128xf32, #tpu.memory_space<vmem>>, vector<16xf32>,
    %add3A_677 = arith.addf %get3A_672, %get3A_676 : vector<16xf32>
    %get3A_678 = arith.constant 2 : i32
    %get3A_679 = arith.index_cast %get3A_678 : i32 to index
    %get3A_680 = arith.constant 112 : index
    %get3A_681 = tpu.vector_load %arg8[%get3A_679, %get3A_680] {strides = array<i32>} : memref<16x128xf32, #tpu.memory_space<vmem>>, vector<16xf32>,
    %add3A_682 = arith.addf %add3A_677, %get3A_681 : vector<16xf32>
    %get3A_683 = arith.constant 3 : i32
    %get3A_684 = arith.index_cast %get3A_683 : i32 to index
    %get3A_685 = arith.constant 112 : index
    %get3A_686 = tpu.vector_load %arg8[%get3A_684, %get3A_685] {strides = array<i32>} : memref<16x128xf32, #tpu.memory_space<vmem>>, vector<16xf32>,
    %add3A_687 = arith.addf %add3A_682, %get3A_686 : vector<16xf32>
    %get3A_688 = arith.constant 4 : i32
    %get3A_689 = arith.index_cast %get3A_688 : i32 to index
    %get3A_690 = arith.constant 112 : index
    %get3A_691 = tpu.vector_load %arg8[%get3A_689, %get3A_690] {strides = array<i32>} : memref<16x128xf32, #tpu.memory_space<vmem>>, vector<16xf32>,
    %add3A_692 = arith.addf %add3A_687, %get3A_691 : vector<16xf32>
    %get3A_693 = arith.constant 5 : i32
    %get3A_694 = arith.index_cast %get3A_693 : i32 to index
    %get3A_695 = arith.constant 112 : index
    %get3A_696 = tpu.vector_load %arg8[%get3A_694, %get3A_695] {strides = array<i32>} : memref<16x128xf32, #tpu.memory_space<vmem>>, vector<16xf32>,
    %add3A_697 = arith.addf %add3A_692, %get3A_696 : vector<16xf32>
    %get3A_698 = arith.constant 6 : i32
    %get3A_699 = arith.index_cast %get3A_698 : i32 to index
    %get3A_700 = arith.constant 112 : index
    %get3A_701 = tpu.vector_load %arg8[%get3A_699, %get3A_700] {strides = array<i32>} : memref<16x128xf32, #tpu.memory_space<vmem>>, vector<16xf32>,
    %add3A_702 = arith.addf %add3A_697, %get3A_701 : vector<16xf32>
    %get3A_703 = arith.constant 7 : i32
    %get3A_704 = arith.index_cast %get3A_703 : i32 to index
    %get3A_705 = arith.constant 112 : index
    %get3A_706 = tpu.vector_load %arg8[%get3A_704, %get3A_705] {strides = array<i32>} : memref<16x128xf32, #tpu.memory_space<vmem>>, vector<16xf32>,
    %add3A_707 = arith.addf %add3A_702, %get3A_706 : vector<16xf32>
    %get3A_708 = arith.constant 8 : i32
    %get3A_709 = arith.index_cast %get3A_708 : i32 to index
    %get3A_710 = arith.constant 112 : index
    %get3A_711 = tpu.vector_load %arg8[%get3A_709, %get3A_710] {strides = array<i32>} : memref<16x128xf32, #tpu.memory_space<vmem>>, vector<16xf32>,
    %add3A_712 = arith.addf %add3A_707, %get3A_711 : vector<16xf32>
    %get3A_713 = arith.constant 9 : i32
    %get3A_714 = arith.index_cast %get3A_713 : i32 to index
    %get3A_715 = arith.constant 112 : index
    %get3A_716 = tpu.vector_load %arg8[%get3A_714, %get3A_715] {strides = array<i32>} : memref<16x128xf32, #tpu.memory_space<vmem>>, vector<16xf32>,
    %add3A_717 = arith.addf %add3A_712, %get3A_716 : vector<16xf32>
    %get3A_718 = arith.constant 10 : i32
    %get3A_719 = arith.index_cast %get3A_718 : i32 to index
    %get3A_720 = arith.constant 112 : index
    %get3A_721 = tpu.vector_load %arg8[%get3A_719, %get3A_720] {strides = array<i32>} : memref<16x128xf32, #tpu.memory_space<vmem>>, vector<16xf32>,
    %add3A_722 = arith.addf %add3A_717, %get3A_721 : vector<16xf32>
    %get3A_723 = arith.constant 11 : i32
    %get3A_724 = arith.index_cast %get3A_723 : i32 to index
    %get3A_725 = arith.constant 112 : index
    %get3A_726 = tpu.vector_load %arg8[%get3A_724, %get3A_725] {strides = array<i32>} : memref<16x128xf32, #tpu.memory_space<vmem>>, vector<16xf32>,
    %add3A_727 = arith.addf %add3A_722, %get3A_726 : vector<16xf32>
    %get3A_728 = arith.constant 12 : i32
    %get3A_729 = arith.index_cast %get3A_728 : i32 to index
    %get3A_730 = arith.constant 112 : index
    %get3A_731 = tpu.vector_load %arg8[%get3A_729, %get3A_730] {strides = array<i32>} : memref<16x128xf32, #tpu.memory_space<vmem>>, vector<16xf32>,
    %add3A_732 = arith.addf %add3A_727, %get3A_731 : vector<16xf32>
    %get3A_733 = arith.constant 13 : i32
    %get3A_734 = arith.index_cast %get3A_733 : i32 to index
    %get3A_735 = arith.constant 112 : index
    %get3A_736 = tpu.vector_load %arg8[%get3A_734, %get3A_735] {strides = array<i32>} : memref<16x128xf32, #tpu.memory_space<vmem>>, vector<16xf32>,
    %add3A_737 = arith.addf %add3A_732, %get3A_736 : vector<16xf32>
    %get3A_738 = arith.constant 14 : i32
    %get3A_739 = arith.index_cast %get3A_738 : i32 to index
    %get3A_740 = arith.constant 112 : index
    %get3A_741 = tpu.vector_load %arg8[%get3A_739, %get3A_740] {strides = array<i32>} : memref<16x128xf32, #tpu.memory_space<vmem>>, vector<16xf32>,
    %add3A_742 = arith.addf %add3A_737, %get3A_741 : vector<16xf32>
    %get3A_743 = arith.constant 15 : i32
    %get3A_744 = arith.index_cast %get3A_743 : i32 to index
    %get3A_745 = arith.constant 112 : index
    %get3A_746 = tpu.vector_load %arg8[%get3A_744, %get3A_745] {strides = array<i32>} : memref<16x128xf32, #tpu.memory_space<vmem>>, vector<16xf32>,
    %add3A_747 = arith.addf %add3A_742, %get3A_746 : vector<16xf32>
    %swap3A_748 = arith.constant 112 : index
    %swap3A_749 = tpu.vector_load %arg9[%swap3A_748] {strides = array<i32>} : memref<128xf32, #tpu.memory_space<vmem>>, vector<16xf32>,
    tpu.vector_store %arg9[%swap3A_748], %add3A_747 {strides = array<i32>} : memref<128xf32, #tpu.memory_space<vmem>>, vector<16xf32>,
    "tpu.region"() ({
      %run_scoped3A = tpu.sem_alloc : memref<!tpu.dma_semaphore, #tpu.memory_space<semaphore_mem>>
      %dma_start3A = tpu.memref_slice %arg4[%arg0, %mul3A_102] : memref<2x2048xf32, #tpu.memory_space<hbm>> -> memref<1x128xf32, #tpu.memory_space<hbm>>
      %dma_start3A_750 = tpu.memref_squeeze %dma_start3A : memref<1x128xf32, #tpu.memory_space<hbm>> -> memref<128xf32, #tpu.memory_space<hbm>>
      %dma_start3A_751 = tpu.memref_slice %arg4[%arg0, %mul3A_102] : memref<2x2048xf32, #tpu.memory_space<hbm>> -> memref<1x128xf32, #tpu.memory_space<hbm>>
      %dma_start3A_752 = tpu.memref_squeeze %dma_start3A_751 : memref<1x128xf32, #tpu.memory_space<hbm>> -> memref<128xf32, #tpu.memory_space<hbm>>
      tpu.enqueue_dma source(%arg9 : memref<128xf32, #tpu.memory_space<vmem>>) target(%dma_start3A_752 : memref<128xf32, #tpu.memory_space<hbm>>) target_semaphore(%run_scoped3A : memref<!tpu.dma_semaphore, #tpu.memory_space<semaphore_mem>>)
      %dma_wait3A = tpu.memref_slice %arg4[%arg0, %mul3A_102] : memref<2x2048xf32, #tpu.memory_space<hbm>> -> memref<1x128xf32, #tpu.memory_space<hbm>>
      %dma_wait3A_753 = tpu.memref_squeeze %dma_wait3A : memref<1x128xf32, #tpu.memory_space<hbm>> -> memref<128xf32, #tpu.memory_space<hbm>>
      %dma_wait3A_754 = tpu.memref_slice %arg4[%arg0, %mul3A_102] : memref<2x2048xf32, #tpu.memory_space<hbm>> -> memref<1x128xf32, #tpu.memory_space<hbm>>
      %dma_wait3A_755 = tpu.memref_squeeze %dma_wait3A_754 : memref<1x128xf32, #tpu.memory_space<hbm>> -> memref<128xf32, #tpu.memory_space<hbm>>
      tpu.wait_dma2 semaphore(%run_scoped3A : memref<!tpu.dma_semaphore, #tpu.memory_space<semaphore_mem>>) src(%arg9 : memref<128xf32, #tpu.memory_space<vmem>>) dst(%dma_wait3A_755 : memref<128xf32, #tpu.memory_space<hbm>>)
      tpu.yield
    }) : () -> ()
    return
  }
}

module attributes {stable_mosaic.version = 14 : i64} {
  func.func @_mlp_body(%arg0: i32, %arg1: memref<25600x128xf32, #tpu.memory_space<vmem>>, %arg2: memref<128x128xf32, #tpu.memory_space<vmem>>, %arg3: memref<1x128xf32, #tpu.memory_space<vmem>>, %arg4: memref<1x128xf32, #tpu.memory_space<vmem>>, %arg5: memref<1x1xf32, #tpu.memory_space<vmem>>, %arg6: memref<25600xf32, #tpu.memory_space<vmem>>) attributes {dimension_semantics = [#tpu.dimension_semantics<arbitrary>], iteration_bounds = array<i64: 4>, scalar_prefetch = 0 : i64, scratch_operands = 0 : i64, tpu.core_type = #tpu.core_type<tc>, window_params = [{transform_indices = @transform_0, window_bounds = array<i64: 25600, 128>}, {pipeline_mode = #tpu.pipeline_mode<synchronous>, transform_indices = @transform_1, window_bounds = array<i64: 128, 128>}, {pipeline_mode = #tpu.pipeline_mode<synchronous>, transform_indices = @transform_2, window_bounds = array<i64: 1, 128>}, {pipeline_mode = #tpu.pipeline_mode<synchronous>, transform_indices = @transform_3, window_bounds = array<i64: 1, 128>}, {pipeline_mode = #tpu.pipeline_mode<synchronous>, transform_indices = @transform_4, window_bounds = array<i64: 1, 1>}, {transform_indices = @transform_5, window_bounds = array<i64: 25600>}]} {
    %get3A = arith.constant 0 : index
    %get3A_0 = arith.constant 0 : index
    %get3A_1 = vector.load %arg1[%get3A, %get3A_0] : memref<25600x128xf32, #tpu.memory_space<vmem>>, vector<25600x128xf32>
    %get3A_2 = arith.constant 0 : index
    %get3A_3 = arith.constant 0 : index
    %get3A_4 = vector.load %arg2[%get3A_2, %get3A_3] : memref<128x128xf32, #tpu.memory_space<vmem>>, vector<128x128xf32>
    %dot_general3A = arith.constant dense<0.000000e+00> : vector<25600x128xf32>
    %dot_general3A_5 = tpu.matmul %get3A_1, %get3A_4, %dot_general3A {dimension_numbers = #tpu.dot_dimension_numbers<[1], [0], [0], [1], [0, 0, 1, 1], [], []>, transpose_lhs_hint = false} : vector<25600x128xf32>, vector<128x128xf32>, vector<25600x128xf32> -> vector<25600x128xf32>
    %get3A_6 = arith.constant 0 : index
    %get3A_7 = arith.constant 0 : index
    %get3A_8 = vector.load %arg3[%get3A_6, %get3A_7] : memref<1x128xf32, #tpu.memory_space<vmem>>, vector<1x128xf32>
    %add3A = vector.broadcast %get3A_8 : vector<1x128xf32> to vector<25600x128xf32>
    %add3A_9 = arith.addf %dot_general3A_5, %add3A : vector<25600x128xf32>
    %logistic3A = arith.negf %add3A_9 : vector<25600x128xf32>
    %logistic3A_10 = math.exp %logistic3A : vector<25600x128xf32>
    %logistic3A_11 = arith.constant 1.000000e+00 : f32
    %logistic3A_12 = vector.broadcast %logistic3A_11 : f32 to vector<25600x128xf32>
    %logistic3A_13 = arith.addf %logistic3A_12, %logistic3A_10 : vector<25600x128xf32>
    %logistic3A_14 = arith.divf %logistic3A_12, %logistic3A_13 : vector<25600x128xf32>
    %mul3A = arith.mulf %add3A_9, %logistic3A_14 : vector<25600x128xf32>
    %get3A_15 = arith.constant 0 : index
    %get3A_16 = arith.constant 0 : index
    %get3A_17 = vector.load %arg4[%get3A_15, %get3A_16] : memref<1x128xf32, #tpu.memory_space<vmem>>, vector<1x128xf32>
    %dot_general3A_18 = arith.constant dense<0.000000e+00> : vector<1x25600xf32>
    %dot_general3A_19 = tpu.matmul %get3A_17, %mul3A, %dot_general3A_18 {dimension_numbers = #tpu.dot_dimension_numbers<[1], [1], [0], [0], [0, 0, 1, 0], [], []>, transpose_lhs_hint = false} : vector<1x128xf32>, vector<25600x128xf32>, vector<1x25600xf32> -> vector<1x25600xf32>
    %squeeze3A = vector.shape_cast %dot_general3A_19 : vector<1x25600xf32> to vector<25600xf32>
    %get3A_20 = arith.constant 0 : index
    %get3A_21 = arith.constant 0 : index
    %get3A_22 = vector.load %arg5[%get3A_20, %get3A_21] : memref<1x1xf32, #tpu.memory_space<vmem>>, vector<1x1xf32>
    %get3A_23 = vector.extract %get3A_22[0, 0] : f32 from vector<1x1xf32>
    %add3A_24 = vector.broadcast %get3A_23 : f32 to vector<25600xf32>
    %add3A_25 = arith.addf %squeeze3A, %add3A_24 : vector<25600xf32>
    %swap3A = arith.constant 0 : index
    %swap3A_26 = vector.load %arg6[%swap3A] : memref<25600xf32, #tpu.memory_space<vmem>>, vector<25600xf32>
    tpu.vector_store %arg6[%swap3A], %add3A_25 {strides = array<i32>} : memref<25600xf32, #tpu.memory_space<vmem>>, vector<25600xf32>,
    return
  }
  func.func @transform_0(%arg0: i32) -> (i32, i32) {
    %c0_i32 = arith.constant 0 : i32
    %c0_i32_0 = arith.constant 0 : i32
    return %arg0, %c0_i32 : i32, i32
  }
  func.func @transform_1(%arg0: i32) -> (i32, i32) {
    %c0_i32 = arith.constant 0 : i32
    %c0_i32_0 = arith.constant 0 : i32
    %c0_i32_1 = arith.constant 0 : i32
    return %c0_i32, %c0_i32_0 : i32, i32
  }
  func.func @transform_2(%arg0: i32) -> (i32, i32) {
    %c0_i32 = arith.constant 0 : i32
    %c0_i32_0 = arith.constant 0 : i32
    %c0_i32_1 = arith.constant 0 : i32
    return %c0_i32, %c0_i32_0 : i32, i32
  }
  func.func @transform_3(%arg0: i32) -> (i32, i32) {
    %c0_i32 = arith.constant 0 : i32
    %c0_i32_0 = arith.constant 0 : i32
    %c0_i32_1 = arith.constant 0 : i32
    return %c0_i32, %c0_i32_0 : i32, i32
  }
  func.func @transform_4(%arg0: i32) -> (i32, i32) {
    %c0_i32 = arith.constant 0 : i32
    %c0_i32_0 = arith.constant 0 : i32
    %c0_i32_1 = arith.constant 0 : i32
    return %c0_i32, %c0_i32_0 : i32, i32
  }
  func.func @transform_5(%arg0: i32) -> i32 {
    %c0_i32 = arith.constant 0 : i32
    return %arg0 : i32
  }
}

</mosaic_0001>

<sc_bundles>
// kernel: kernel.4.cloned.1.call-start
scs
__scs_entry_jumppad:
0x0: {  	(pc) =	sbr.rel $0x88, $3  }
0x1: {  	(tag) =	ssettag $0x0;
	lr =	simm.s32 $0x1  }
0x2: {  	[smem:$0x3F9B] =	sst lr;
	_ =	strace $0xD0000000  }
0x3: {  	_ = 	snop  }
0x4: {  	_ = 	snop  }
0x5: {  	_ = 	snop  }
0x6: {  	_ = 	snop  }
0x7: {  	_ = 	snop  }
__scs_overlays_trampoline_lowered:
0x8: {  	[smem:$0x3FAA] =	sst s0  }
0x9: {  	[smem:$0x3FAB] =	sst s1  }
0xa: {  	[smem:$0x3FAC] =	sst s2  }
0xb: {  	[smem:$0x3FAD] =	sst s3  }
0xc: {  	[smem:$0x3FAE] =	sst s4  }
0xd: {  	[smem:$0x3FAF] =	sst s5  }
0xe: {  	[smem:$0x3FB0] =	sst s6  }
0xf: {  	[smem:$0x3FB1] =	sst s7  }
0x10: {  	[smem:$0x3FB2] =	sst s8  }
0x11: {  	[smem:$0x3FB3] =	sst s9;
	s0 =	simm.s32 @!p0 $0x0  }
0x12: {  	s1 =	sld [smem:$0x3F99];
	s0 =	simm.s32 @p0 $0x1  }
0x13: {  	[smem:$0x3FB4] =	sst s0;
	s0 =	simm.s32 @!p1 $0x0  }
0x14: {  	s2 =	sld [smem:$0x3F98];
	s0 =	simm.s32 @p1 $0x1  }
0x15: {  	[smem:$0x3FB5] =	sst s0;
	s0 =	simm.s32 @!p2 $0x0  }
0x16: {  	s3 =	sld [smem:$0x3FDB];
	s0 =	simm.s32 @p2 $0x1  }
0x17: {  	s4 =	simm.s32 $0x1BF5;
	[smem:$0x3FB7] =	sst s0  }
0x18: {  	s0 =	sld [smem:$0x3F9A];
	_ =	swait.ge [sflag:s4], $0x0  }
0x19: {  	s7 =	sld [smem:$0x3F9B]  }
0x1a: {  	s8 =	sadd.s32 $0xFFFFE003, lr  }
0x1b: {  	s9 =	sadd.s32 $0xFFFFFEF7, lr;
	s5 =	simm.s32 $0xFFFFFFFF;
	p2 =	slt.u32 s8, $0xFFFFF086  }
0x1c: {  	p1 =	slt.u32 s9, $0xF7A;
	s5 =	simm.s32 @!p2 $0x0  }
0x1d: {  	s5 =	simm.s32 @p1 $0x1;
	p0 =	seq.s32 s7, s2  }
0x1e: {  	s7 =	smul.u32 @!p0 $0xF7A, s2;
	p2 =	seq.s32 @!p0 s5, $0x0  }
0x1f: {  	s9 =	smul.u32 $0xF7A, s1;
	s8 =	simm.s32 @!p0 $0x1BF5;
	p2 =	por !p2, p0  }
0x20: {  	[sflag:s8] =	ssyncset.s32 @!p0 $0xFFFFF086;
	s6 =	sadd.s32 @!p0 s3, s7;
	s7 =	simm.s32 @!p0 $0x108  }
0x21: {  	s3 =	sadd.s32 s3, s9;
	s6 =	sadd.s32 @!p0 $0x88, s6;
	s7 =	simm.s32 @p2 $0x1082  }
0x22: {  	[simem:s7], [sflag:s8] =	dma.local @!p0 [hbm:s6], $0xF7A  }
0x23: {  	s9 =	sor.u32 $0xD0000000, s2;
	s6 =	simm.s32 $0x108;
	_ =	swait.ge @!p0 [sflag:s8], $0x0  }
0x24: {  	s3 =	sadd.s32 $0x88, s3;
	s6 =	simm.s32 @!p1 $0x1082;
	[sflag:s4] =	ssyncset.s32 $0xFFFFF086  }
0x25: {  	[simem:s6], [sflag:s4] =	dma.local [hbm:s3], $0xF7A  }
0x26: {  	[smem:$0x3F9B] =	sst s1;
	(tag) =	ssettag s2;
	_ =	strace s9  }
0x27: {  	s1 =	sld [smem:$0x3FAB]  }
0x28: {  	s2 =	sld [smem:$0x3FAC]  }
0x29: {  	s4 =	sld [smem:$0x3FAE]  }
0x2a: {  	p0 =	seq.s32 s5, $0x0;
	s5 =	sld [smem:$0x3FAF]  }
0x2b: {  	s6 =	sld [smem:$0x3FB0]  }
0x2c: {  	s7 =	sld [smem:$0x3FB1]  }
0x2d: {  	s3 =	simm.s32 $0x108;
	s8 =	sld [smem:$0x3FB2]  }
0x2e: {  	s3 =	simm.s32 @!p0 $0x1082;
	s9 =	sld [smem:$0x3FB3]  }
0x2f: {  	lr =	sadd.s32 s0, s3;
	s0 =	sld [smem:$0x3FAA]  }
0x30: {  	s3 =	sld [smem:$0x3FAD]  }
0x31: {  	[smem:$0x3FB6] =	sst s10  }
0x32: {  	s10 =	sld [smem:$0x3FB4];
	_ =	sdelay $0x3  }
0x33: {  	p0 =	seq.s32 s10, $0x1;
	s10 =	sld [smem:$0x3FB6];
	_ =	sdelay $0x3  }
0x34: {  	[smem:$0x3FB6] =	sst s10  }
0x35: {  	s10 =	sld [smem:$0x3FB5];
	_ =	sdelay $0x3  }
0x36: {  	p1 =	seq.s32 s10, $0x1;
	s10 =	sld [smem:$0x3FB6];
	_ =	sdelay $0x3  }
0x37: {  	[smem:$0x3FB6] =	sst s10  }
0x38: {  	s10 =	sld [smem:$0x3FB7]  }
0x39: {  	_ = 	snop;
	(pc) =	sbr.ind lr, $3  }
0x3a: {  	_ = 	snop  }
0x3b: {  	_ = 	snop  }
0x3c: {  	p2 =	seq.s32 s10, $0x1;
	s10 =	sld [smem:$0x3FB6]  }
0x3d: {  	_ =	shalt  }
0x3e: {  	_ =	shalt  }
0x3f: {  	_ =	shalt  }
0x40: {  	_ =	shalt  }
0x41: {  	_ =	shalt  }
0x42: {  	_ =	shalt  }
0x43: {  	_ =	shalt  }
0x44: {  	_ =	shalt  }
0x45: {  	_ =	shalt  }
0x46: {  	_ =	shalt  }
0x47: {  	_ =	shalt  }
0x48: {  	_ =	shalt  }
0x49: {  	_ =	shalt  }
0x4a: {  	_ =	shalt  }
0x4b: {  	_ =	shalt  }
0x4c: {  	_ =	shalt  }
0x4d: {  	_ =	shalt  }
0x4e: {  	_ =	shalt  }
0x4f: {  	_ =	shalt  }
0x50: {  	_ =	shalt  }
0x51: {  	_ =	shalt  }
0x52: {  	_ =	shalt  }
0x53: {  	_ =	shalt  }
0x54: {  	_ =	shalt  }
0x55: {  	_ =	shalt  }
0x56: {  	_ =	shalt  }
0x57: {  	_ =	shalt  }
0x58: {  	_ =	shalt  }
0x59: {  	_ =	shalt  }
0x5a: {  	_ =	shalt  }
0x5b: {  	_ =	shalt  }
0x5c: {  	_ =	shalt  }
0x5d: {  	_ =	shalt  }
0x5e: {  	_ =	shalt  }
0x5f: {  	_ =	shalt  }
0x60: {  	_ =	shalt  }
0x61: {  	_ =	shalt  }
0x62: {  	_ =	shalt  }
0x63: {  	_ =	shalt  }
0x64: {  	_ =	shalt  }
0x65: {  	_ =	shalt  }
0x66: {  	_ =	shalt  }
0x67: {  	_ =	shalt  }
0x68: {  	_ =	shalt  }
0x69: {  	_ =	shalt  }
0x6a: {  	_ =	shalt  }
0x6b: {  	_ =	shalt  }
0x6c: {  	_ =	shalt  }
0x6d: {  	_ =	shalt  }
0x6e: {  	_ =	shalt  }
0x6f: {  	_ =	shalt  }
0x70: {  	_ =	shalt  }
0x71: {  	_ =	shalt  }
0x72: {  	_ =	shalt  }
0x73: {  	_ =	shalt  }
0x74: {  	_ =	shalt  }
0x75: {  	_ =	shalt  }
0x76: {  	_ =	shalt  }
0x77: {  	_ =	shalt  }
0x78: {  	_ =	shalt  }
0x79: {  	_ =	shalt  }
0x7a: {  	_ =	shalt  }
0x7b: {  	_ =	shalt  }
0x7c: {  	_ =	shalt  }
0x7d: {  	_ =	shalt  }
0x7e: {  	_ =	shalt  }
0x7f: {  	_ =	shalt  }
0x80: {  	_ =	shalt  }
0x81: {  	_ =	shalt  }
0x82: {  	_ =	shalt  }
0x83: {  	_ =	shalt  }
0x84: {  	_ =	shalt  }
0x85: {  	_ =	shalt  }
0x86: {  	_ =	shalt  }
0x87: {  	_ =	shalt  }
.Lfunc_end0:
.L_simem_size_0:
called_computation_lowered:
.L_overlay_start_0:
0x88: {  	s2 =	sld [smem:$0x3FD9]  }
0x89: {  	s3 =	sld [smem:$0x3FFE];
	_ =	sdelay $0x1  }
0x8a: {  	s1 =	srdreg.scid  }
0x8b: {  	s0 =	sand.u32 $0x1, s1  }
0x8c: {  	s17 =	sshll.u32 s0, $0xA;
	s2 =	sadd.s32 s3, s2  }
0x8d: {  	s2 =	sadd.s32 s2, s17  }
0x8e: {  	[smem:$0x3FC2] =	sst s2  }
0x8f: {  	_ = 	snop  }
0x90: {  	s2 =	sld [smem:$0x3FC8];
	(tm) =	ssettm $0x1  }
0x91: {  	s18 =	sld [smem:$0x3FFB];
	_ =	sdelay $0x3  }
0x92: {  	_ =	strace s18  }
0x93: {  	s3 =	sld [smem:$0x3FFC];
	_ =	sdelay $0x3  }
0x94: {  	_ =	strace s3  }
0x95: {  	s3 =	sld [smem:$0x3FFD];
	_ =	sdelay $0x3  }
0x96: {  	_ =	strace s3  }
0x97: {  	_ =	strace $0x8FFFFFFF  }
0x98: {  	s19 =	sld [smem:$0x3FDB];
	_ =	sdelay $0x1  }
0x99: {  	s4 =	simm.s32 $_scs_section_size  }
0x9a: {  	s5 =	simm.s32 $_size__tile_overlayer_lowered;
	s6 =	simm.s32 $_tile_overlayer_lowered  }
0x9b: {  	s22 =	simm.s32 $0x1BFF;
	s21 =	sshll.u32 s6, $0x1;
	s3 =	sadd.s32 s4, s19  }
0x9c: {  	s7 =	simm.s32 $0x0;
	s20 =	sshll.u32 s5, $0x1;
	s5 =	sadd.s32 s21, s3  }
0x9d: {  	[timem:s7], [sflag:s22] =	dma.local [hbm:s5], s20  }
0x9e: {  	_ =	swait.ge [sflag:s22], s20  }
0x9f: {  	s4 =	ssub.s32 $0x0, s20;
	[sflag:s22] =	ssyncset.done $0x0  }
0xa0: {  	[sflag:s22] =	ssyncadd.s32 s4;
	_ =	sdelay $0x1  }
0xa1: {  	s23 =	simm.s32 $0x1B8B  }
0xa2: {  	_ =	swait.ge [sflag:s23], $0x1  }
0xa3: {  	[sflag:s23] =	ssyncset.done $0x0  }
0xa4: {  	s25 =	simm.s32 $0x1B8E;
	s24 =	sld [smem:$0x3FFE];
	[sflag:s23] =	ssyncadd.s32 $0xFFFFFFFF  }
0xa5: {  	s26 =	simm.s32 $execute0_lowered;
	[smem:$0x3FD2] =	sst s25  }
0xa6: {  	s5 =	sshll.u32 s26, $0x1;
	_ =	strace $0x80000046;
	[dreg:$0x1] =	wrdreg $0xFFFFFFFF  }
0xa7: {  	s28 =	simm.s32 $_size_execute0_lowered;
	s3 =	sadd.s32 s3, s5;
	[dreg:$0x0] =	wrdreg $0x0  }
0xa8: {  	s5 =	sshll.u32 s28, $0x1;
	[dreg:$0x2] =	wrdreg s3  }
0xa9: {  	[dreg:$0x3] =	wrdreg s5  }
0xaa: {  	[dreg:$0x4] =	wrdreg $0xC0  }
0xab: {  	_ =	task [dreg:s7], $0x5FFFF  }
0xac: {  	[dreg:$0x1] =	wrdreg $0xFFFFFFFF  }
0xad: {  	[dreg:$0x0] =	wrdreg $0x60  }
0xae: {  	[dreg:$0x2] =	wrdreg s24  }
0xaf: {  	[dreg:$0x3] =	wrdreg s2  }
0xb0: {  	[dreg:$0x4] =	wrdreg $0x29800  }
0xb1: {  	[dreg:$0x5] =	wrdreg $0x9  }
0xb2: {  	_ =	task.clear_ibuf [dreg:s7], $0x6FFFF;
	_ =	strace $0x90000046  }
0xb3: {  	s29 =	simm.s32 $0x9;
	_ =	strace $0x80000048  }
0xb4: {  	_ =	swait.ge [sflag:s29], $0x1  }
0xb5: {  	[sflag:s29] =	ssyncadd.s32 $0xFFFFFFFF  }
0xb6: {  	_ =	strace $0x90000048  }
0xb7: {  	_ =	sfence  }
0xb8: {  	s30 =	sld [smem:$0x0];
	_ =	sdelay $0x2  }
0xb9: {  	s31 =	sshll.u32 s1, $0xD;
	s1 =	sshrl.u32 s1, $0x2  }
0xba: {  	s3 =	sand.u32 $0x4000, s31;
	s1 =	sadd.s32 s1, s30  }
0xbb: {  	s0 =	sor.u32 s3, s0;
	s1 =	sshll.u32 s1, $0x11  }
0xbc: {  	s0 =	sor.u32 s1, s0  }
0xbd: {  	s0 =	sadd.s32 $0x8F2B, s0  }
0xbe: {  	[sflag:s0] =	ssyncadd.remote.s32 $0x1  }
0xbf: {  	_ =	sfence.sel $0xFFFF  }
0xc0: {  	[dreg:$0x0] =	wrdreg $0xFFFFFFFF;
	(pc) =	sbr.abs _section_cstart, $3  }
0xc1: {  	[dreg:$0x1] =	wrdreg $0xFFFFFFFF  }
0xc2: {  	_ =	task.clear_ibuf [dreg:s7], $0x2FFFF;
	_ =	strace $0x9FFFFFFF  }
0xc3: {  	(tm) =	ssettm $0x7FFFFFFF  }
tec
execute0_lowered:
.L_overlay_start_1:
0x0: {  	(tag) =	ssettag $0x1  }
0x1: {  	s5 =	rddreg [dreg:$0x0]  }
0x2: {  	s6 =	rddreg [dreg:$0x1];
	s1 =	srdreg.scid  }
0x3: {  	s0 =	stileid.u32;
	s8 =	rddreg [dreg:$0x2];
	s2 =	simm.s32 $0x0  }
0x4: {  	s14 =	simm.s32 $0x3;
	s15 =	simm.s32 $0x4000;
	s16 =	simm.s32 $0x2100  }
0x5: {  	s17 =	simm.s32 $0x2900;
	s3 =	sand.u32 $0x1, s1;
	s1 =	rddreg [dreg:$0x3]  }
0x6: {  	s18 =	simm.s32 $0x0;
	s4 =	sshll.u32 s0, $0x1;
	[smem:$0x7FF] =	sst s2  }
0x7: {  	s29 =	sshll.u32 s0, $0xB;
	s30 =	sshll.u32 s0, $0x7;
	s13 =	sshll.u32 s0, $0x5  }
0x8: {  	s31 =	sshll.u32 s0, $0xA;
	s11 =	sor.u32 s3, s4;
	_ =	strace $0x80000047  }
0x9: {  	s7 =	ssub.s32 $0x2, s3;
	s3 =	sshll.u32 s3, $0x4;
	s4 =	smul.u32 $0x188, s11  }
0xa: {  	s10 =	sshrl.u32 s7, $0x1;
	s12 =	sadd.s32 s3, s5;
	p0 =	seq.s32 s11, $0x1F  }
0xb: {  	s11 =	simm.s32 $0x1900;
	s10 =	ssub.s32 s7, s10;
	s7 =	sand.u32 $0x4000, s29  }
.Ltmp0:
0xc: {  	s12 =	sadd.s32 s13, s12;
	s13 =	simm.s32 $0x400;
	(pc) =	sbr.rel .LBB2_1-.Ltmp0, $4  }
0xd: {  	s9 =	sadd.s32 s4, s5;
	s4 =	sadd.s32 s6, s4;
	s5 =	sadd.s32 $0x3B78, s5  }
0xe: {  	s6 =	sadd.s32 $0x2F78, s6;
	s7 =	sadd.s32 s7, s8;
	s8 =	sadd.s32 s31, s8  }
0xf: {  	s10 =	smax.u32 s10, $0x1;
	s3 =	sadd.s32 $0xC00, s9;
	s9 =	sand.u32 $0x380, s30  }
0x10: {  	v0 =	vimm.f32 $0.0e+00;
	s7 =	sadd.s32 s9, s7;
	s9 =	sadd.s32 $0x3E00, s12;
	s12 =	simm.s32 $0x80  }
.LBB2_7:
0x11: {  	[spmem:s7] =	stream.strided.scatter [tilespmem:s11], [sflag:$0x3], $0x800, s13, s12, $0x38;
	[tilespmem:$0x3180] =	vst v63  }
0x12: {  	_ =	swait.ge [sflag:s14], $0x800  }
0x13: {  	[sflag:s14] =	ssyncset.done $0x0  }
0x14: {  	[sflag:s14] =	ssyncadd.s32 $0xFFFFF800  }
0x15: {  	[bflag:$0x0] =	sbarrier.arrive $0xFFFF  }
0x16: {  	[tilespmem:s16], [sflag:$0x3] =	stream.strided.gather [spmem:s8], $0x800, s15, s13, $0x38;
	[tilespmem:$0x3180] =	vst v63  }
0x17: {  	_ =	swait.ge [sflag:s14], $0x800  }
0x18: {  	[sflag:s14] =	ssyncset.done $0x0  }
0x19: {  	[sflag:s14] =	ssyncadd.s32 $0xFFFFF800  }
0x1a: {  	v1 =	vld [tilespmem:$0x2100]  }
0x1b: {  	v2 =	vld [tilespmem:$0x2180]  }
0x1c: {  	v3 =	vld [tilespmem:$0x2200]  }
0x1d: {  	v4 =	vld [tilespmem:$0x2280]  }
0x1e: {  	v10 =	vld [tilespmem:$0x2300]  }
0x1f: {  	v11 =	vld [tilespmem:$0x2380]  }
0x20: {  	v12 =	vld [tilespmem:$0x2400]  }
0x21: {  	v13 =	vld [tilespmem:$0x2480]  }
0x22: {  	v16 =	vld [tilespmem:$0x2500]  }
0x23: {  	v18 =	vld [tilespmem:$0x2580]  }
0x24: {  	v31 =	vld [tilespmem:$0x2600]  }
0x25: {  	v5 =	vld [tilespmem:$0x2680]  }
0x26: {  	v44 =	vld [tilespmem:$0x2700]  }
0x27: {  	v45 =	vld [tilespmem:$0x2780]  }
0x28: {  	v46 =	vld [tilespmem:$0x2800]  }
0x29: {  	v47 =	vld [tilespmem:$0x2880]  }
0x2a: {  	v6 =	vld [tilespmem:$0x2110]  }
0x2b: {  	v8 =	vld [tilespmem:$0x2190]  }
0x2c: {  	v20 =	vld [tilespmem:$0x2210]  }
0x2d: {  	v21 =	vld [tilespmem:$0x2290]  }
0x2e: {  	v22 =	vld [tilespmem:$0x2310]  }
0x2f: {  	v23 =	vld [tilespmem:$0x2390]  }
0x30: {  	v24 =	vld [tilespmem:$0x2410]  }
0x31: {  	v25 =	vld [tilespmem:$0x2490]  }
0x32: {  	v26 =	vld [tilespmem:$0x2510]  }
0x33: {  	v27 =	vld [tilespmem:$0x2590]  }
0x34: {  	v28 =	vld [tilespmem:$0x2610]  }
0x35: {  	v29 =	vld [tilespmem:$0x2690]  }
0x36: {  	v30 =	vld [tilespmem:$0x2710]  }
0x37: {  	v48 =	vld [tilespmem:$0x2790]  }
0x38: {  	v49 =	vld [tilespmem:$0x2810]  }
0x39: {  	v50 =	vld [tilespmem:$0x2890]  }
0x3a: {  	v9 =	vld [tilespmem:$0x2120]  }
0x3b: {  	v34 =	vld [tilespmem:$0x21A0]  }
0x3c: {  	v35 =	vld [tilespmem:$0x2220]  }
0x3d: {  	v36 =	vld [tilespmem:$0x22A0]  }
0x3e: {  	v37 =	vld [tilespmem:$0x2320]  }
0x3f: {  	v38 =	vld [tilespmem:$0x23A0]  }
0x40: {  	v39 =	vld [tilespmem:$0x2420]  }
0x41: {  	v40 =	vld [tilespmem:$0x24A0]  }
0x42: {  	v41 =	vld [tilespmem:$0x2520]  }
0x43: {  	v42 =	vld [tilespmem:$0x25A0]  }
0x44: {  	v43 =	vld [tilespmem:$0x2620]  }
0x45: {  	v51 =	vld [tilespmem:$0x2230]  }
0x46: {  	v52 =	vld [tilespmem:$0x22B0]  }
0x47: {  	v53 =	vld [tilespmem:$0x2330]  }
0x48: {  	v54 =	vld [tilespmem:$0x23B0]  }
0x49: {  	v55 =	vld [tilespmem:$0x2430]  }
0x4a: {  	v56 =	vld [tilespmem:$0x24B0]  }
0x4b: {  	v57 =	vld [tilespmem:$0x2530]  }
0x4c: {  	v58 =	vld [tilespmem:$0x25B0]  }
0x4d: {  	v59 =	vld [tilespmem:$0x2630]  }
0x4e: {  	v60 =	vld [tilespmem:$0x26B0]  }
0x4f: {  	v61 =	vld [tilespmem:$0x2730]  }
0x50: {  	v62 =	vld [tilespmem:$0x27B0]  }
0x51: {  	v63 =	vld [tilespmem:$0x2830]  }
0x52: {  	v14 =	vld [tilespmem:$0x28B0]  }
0x53: {  	v7 =	vld [tilespmem:$0x2140]  }
0x54: {  	v15 =	vld [tilespmem:$0x2240]  }
0x55: {  	v17 =	vld [tilespmem:$0x22C0]  }
0x56: {  	v19 =	vld [tilespmem:$0x2340]  }
0x57: {  	v32 =	vld [tilespmem:$0x23C0]  }
0x58: {  	v33 =	vld [tilespmem:$0x2440]  }
0x59: {  	[tilespmem:$0x1FF80] =	vst v44;
	v44 =	vld [tilespmem:$0x26A0]  }
0x5a: {  	[tilespmem:$0x1FF90] =	vst v45;
	v45 =	vld [tilespmem:$0x2720]  }
0x5b: {  	[tilespmem:$0x1FFB0] =	vst v46;
	v46 =	vld [tilespmem:$0x27A0]  }
0x5c: {  	[tilespmem:$0x1FFD0] =	vst v47;
	v47 =	vld [tilespmem:$0x2820]  }
0x5d: {  	[tilespmem:$0x1FFA0] =	vst v48;
	v48 =	vld [tilespmem:$0x28A0]  }
0x5e: {  	[tilespmem:$0x1FFC0] =	vst v49;
	v49 =	vld [tilespmem:$0x2130]  }
0x5f: {  	[tilespmem:$0x1FFE0] =	vst v50;
	v50 =	vld [tilespmem:$0x21B0]  }
0x60: {  	[tilespmem:$0x1FF70] =	vst v5;
	v5 =	vld [tilespmem:$0x21C0]  }
0x61: {  	v1 =	vadd.f32 v2, v1;
	v2 =	vld [tilespmem:$0x24C0]  }
0x62: {  	v6 =	vadd.f32 v8, v6;
	v8 =	vld [tilespmem:$0x2540]  }
0x63: {  	v1 =	vadd.f32 v3, v1;
	v3 =	vadd.f32 v34, v9;
	v9 =	vld [tilespmem:$0x25C0]  }
0x64: {  	v34 =	vadd.f32 v20, v6;
	v20 =	vld [tilespmem:$0x2640]  }
0x65: {  	v6 =	vld [tilespmem:$0x26C0]  }
0x66: {  	v1 =	vadd.f32 v4, v1;
	v4 =	vld [tilespmem:$0x2740]  }
0x67: {  	v3 =	vadd.f32 v35, v3;
	v21 =	vadd.f32 v21, v34;
	v34 =	vld [tilespmem:$0x21D0]  }
0x68: {  	v49 =	vadd.f32 v50, v49;
	v50 =	vld [tilespmem:$0x1FFC0]  }
0x69: {  	v35 =	vadd.f32 v36, v3;
	v3 =	vld [tilespmem:$0x27C0]  }
0x6a: {  	v1 =	vadd.f32 v10, v1;
	v10 =	vld [tilespmem:$0x2840]  }
0x6b: {  	v21 =	vadd.f32 v22, v21;
	v51 =	vadd.f32 v51, v49;
	v49 =	vld [tilespmem:$0x21E0]  }
0x6c: {  	v11 =	vadd.f32 v11, v1;
	v1 =	vld [tilespmem:$0x28C0]  }
0x6d: {  	v21 =	vadd.f32 v23, v21;
	v23 =	vld [tilespmem:$0x2150]  }
0x6e: {  	v37 =	vadd.f32 v37, v35;
	v35 =	vld [tilespmem:$0x26D0]  }
0x6f: {  	v36 =	vadd.f32 v52, v51;
	v51 =	vld [tilespmem:$0x2170]  }
0x70: {  	v52 =	vld [tilespmem:$0x1FFD0]  }
0x71: {  	v5 =	vadd.f32 v5, v7;
	v21 =	vadd.f32 v24, v21;
	v24 =	vld [tilespmem:$0x2250]  }
0x72: {  	v11 =	vadd.f32 v12, v11;
	v22 =	vadd.f32 v53, v36;
	v36 =	vld [tilespmem:$0x27D0]  }
0x73: {  	v5 =	vadd.f32 v15, v5;
	v53 =	vld [tilespmem:$0x21F0]  }
0x74: {  	v38 =	vadd.f32 v38, v37;
	v11 =	vadd.f32 v13, v11;
	v13 =	vld [tilespmem:$0x22D0]  }
0x75: {  	v21 =	vadd.f32 v25, v21;
	v25 =	vld [tilespmem:$0x2350]  }
0x76: {  	v5 =	vadd.f32 v17, v5;
	v12 =	vadd.f32 v39, v38;
	v38 =	vld [tilespmem:$0x23E0]  }
0x77: {  	v39 =	vld [tilespmem:$0x23F0]  }
0x78: {  	v5 =	vadd.f32 v19, v5;
	v22 =	vadd.f32 v54, v22;
	v54 =	vld [tilespmem:$0x1FFE0]  }
0x79: {  	v11 =	vadd.f32 v16, v11;
	v12 =	vadd.f32 v40, v12;
	v16 =	vld [tilespmem:$0x23D0]  }
0x7a: {  	v21 =	vadd.f32 v26, v21;
	v26 =	vld [tilespmem:$0x2450];
	v22 =	vadd.f32 v55, v22  }
0x7b: {  	v5 =	vadd.f32 v32, v5;
	v40 =	vld [tilespmem:$0x1FF70];
	v11 =	vadd.f32 v18, v11  }
0x7c: {  	v55 =	vld [tilespmem:$0x2260];
	v12 =	vadd.f32 v41, v12;
	v22 =	vadd.f32 v56, v22  }
0x7d: {  	v18 =	vld [tilespmem:$0x24D0];
	v21 =	vadd.f32 v27, v21;
	v11 =	vadd.f32 v31, v11  }
0x7e: {  	v41 =	vld [tilespmem:$0x1FF80];
	v12 =	vadd.f32 v42, v12;
	v22 =	vadd.f32 v57, v22  }
0x7f: {  	v21 =	vadd.f32 v28, v21;
	v42 =	vld [tilespmem:$0x1FF90];
	v57 =	vadd.f32 v34, v23  }
0x80: {  	v12 =	vadd.f32 v43, v12;
	v43 =	vld [tilespmem:$0x1FFA0];
	v22 =	vadd.f32 v58, v22  }
0x81: {  	v27 =	vld [tilespmem:$0x2550];
	v11 =	vadd.f32 v40, v11;
	v21 =	vadd.f32 v29, v21  }
0x82: {  	v12 =	vadd.f32 v44, v12;
	v44 =	vld [tilespmem:$0x2160];
	v22 =	vadd.f32 v59, v22  }
0x83: {  	v56 =	vld [tilespmem:$0x2270];
	v11 =	vadd.f32 v41, v11;
	v21 =	vadd.f32 v30, v21  }
0x84: {  	v12 =	vadd.f32 v45, v12;
	v45 =	vld [tilespmem:$0x1FFB0];
	v22 =	vadd.f32 v60, v22  }
0x85: {  	v31 =	vld [tilespmem:$0x25D0];
	v11 =	vadd.f32 v42, v11;
	v21 =	vadd.f32 v43, v21  }
0x86: {  	v28 =	vld [tilespmem:$0x2650];
	v12 =	vadd.f32 v46, v12;
	v22 =	vadd.f32 v61, v22  }
0x87: {  	v58 =	vld [tilespmem:$0x22E0];
	v21 =	vadd.f32 v50, v21;
	v59 =	vadd.f32 v49, v44  }
0x88: {  	[tilespmem:$0x1FFF0] =	vst v33;
	v60 =	vld [tilespmem:$0x22F0];
	v61 =	vadd.f32 v53, v51;
	v12 =	vadd.f32 v47, v12  }
0x89: {  	v43 =	vld [tilespmem:$0x1FFF0];
	v11 =	vadd.f32 v45, v11;
	v22 =	vadd.f32 v62, v22  }
0x8a: {  	v21 =	vadd.f32 v54, v21;
	v62 =	vld [tilespmem:$0x2360];
	v15 =	vadd.f32 v55, v59  }
0x8b: {  	v7 =	vadd.f32 v56, v61;
	v22 =	vadd.f32 v63, v22;
	v63 =	vld [tilespmem:$0x2370]  }
0x8c: {  	v29 =	vld [tilespmem:$0x2750];
	v12 =	vadd.f32 v48, v12;
	v15 =	vadd.f32 v58, v15  }
0x8d: {  	v40 =	vld [tilespmem:$0x2460];
	v14 =	vadd.f32 v14, v22;
	v22 =	vadd.f32 v24, v57  }
0x8e: {  	v30 =	vld [tilespmem:$0x2850];
	v5 =	vadd.f32 v43, v5;
	v7 =	vadd.f32 v60, v7  }
0x8f: {  	v41 =	vld [tilespmem:$0x2470];
	v15 =	vadd.f32 v62, v15;
	v13 =	vadd.f32 v13, v22  }
0x90: {  	v42 =	vld [tilespmem:$0x24E0];
	v11 =	vadd.f32 v52, v11;
	v7 =	vadd.f32 v63, v7  }
0x91: {  	v44 =	vld [tilespmem:$0x24F0];
	v15 =	vadd.f32 v38, v15;
	v13 =	vadd.f32 v25, v13  }
0x92: {  	v45 =	vld [tilespmem:$0x2560];
	v2 =	vadd.f32 v2, v5;
	v7 =	vadd.f32 v39, v7  }
0x93: {  	v47 =	vld [tilespmem:$0x2570];
	v46 =	vadd.f32 v40, v15;
	v13 =	vadd.f32 v16, v13  }
0x94: {  	v48 =	vld [tilespmem:$0x25E0];
	v2 =	vadd.f32 v8, v2;
	v7 =	vadd.f32 v41, v7  }
0x95: {  	v49 =	vld [tilespmem:$0x25F0];
	v5 =	vadd.f32 v42, v46;
	v13 =	vadd.f32 v26, v13  }
0x96: {  	v50 =	vld [tilespmem:$0x2660];
	v2 =	vadd.f32 v9, v2;
	v7 =	vadd.f32 v44, v7  }
0x97: {  	v51 =	vld [tilespmem:$0x2670];
	v5 =	vadd.f32 v45, v5;
	v13 =	vadd.f32 v18, v13  }
0x98: {  	v52 =	vld [tilespmem:$0x26E0];
	v2 =	vadd.f32 v20, v2;
	v7 =	vadd.f32 v47, v7  }
0x99: {  	v53 =	vld [tilespmem:$0x26F0];
	v5 =	vadd.f32 v48, v5;
	v13 =	vadd.f32 v27, v13  }
0x9a: {  	v54 =	vld [tilespmem:$0x2760];
	v2 =	vadd.f32 v6, v2;
	v7 =	vadd.f32 v49, v7  }
0x9b: {  	v55 =	vld [tilespmem:$0x2770];
	v5 =	vadd.f32 v50, v5;
	v13 =	vadd.f32 v31, v13  }
0x9c: {  	v56 =	vld [tilespmem:$0x27E0];
	v2 =	vadd.f32 v4, v2;
	v7 =	vadd.f32 v51, v7  }
0x9d: {  	v58 =	vld [tilespmem:$0x27F0];
	v57 =	vadd.f32 v52, v5;
	v13 =	vadd.f32 v28, v13  }
0x9e: {  	v59 =	vld [tilespmem:$0x2860];
	v2 =	vadd.f32 v3, v2;
	v7 =	vadd.f32 v53, v7  }
0x9f: {  	v60 =	vld [tilespmem:$0x2870];
	v3 =	vadd.f32 v54, v57;
	v13 =	vadd.f32 v35, v13  }
0xa0: {  	v62 =	vld [tilespmem:$0x28E0];
	v2 =	vadd.f32 v10, v2;
	v6 =	vadd.f32 v55, v7  }
0xa1: {  	v63 =	vld [tilespmem:$0x28F0];
	v3 =	vadd.f32 v56, v3;
	v13 =	vadd.f32 v29, v13  }
0xa2: {  	v37 =	vld [tilespmem:$0x28D0];
	[tilespmem:$0x2910] =	vst v21;
	v1 =	vadd.f32 v1, v2;
	v5 =	vadd.f32 v58, v6  }
0xa3: {  	[tilespmem:$0x2920] =	vst v12;
	v2 =	vadd.f32 v59, v3;
	v61 =	vadd.f32 v36, v13  }
0xa4: {  	[tilespmem:$0x2900] =	vst v11;
	v4 =	vadd.f32 v60, v5  }
0xa5: {  	[tilespmem:$0x2940] =	vst v1;
	v1 =	vadd.f32 v62, v2;
	v8 =	vadd.f32 v30, v61  }
0xa6: {  	[tilespmem:$0x2930] =	vst v14;
	v2 =	vadd.f32 v63, v4  }
0xa7: {  	s18 =	sadd.s32 $0x1, s18;
	[tilespmem:$0x2960] =	vst v1;
	v3 =	vadd.f32 v37, v8  }
0xa8: {  	p1 =	sne.s32 s18, s10;
	[tilespmem:$0x2970] =	vst v2  }
.Ltmp1:
0xa9: {  	[tilespmem:$0x2950] =	vst v3;
	(pc) =	sbr.rel @!p1 .LBB2_8-.Ltmp1, $4  }
0xaa: {  	[hbm4b:s9+s2] =	stream.linear.scatter [tilespmem:s17], [sflag:$0x3], $0x80, $0x38;
	[tilespmem:$0x3180] =	vst v63  }
0xab: {  	_ =	swait.ge [sflag:s14], $0x80  }
0xac: {  	[sflag:s14] =	ssyncset.done $0x0  }
0xad: {  	[sflag:s14] =	ssyncadd.s32 $0xFFFFFF80  }
.LBB2_1:
0xae: {  	s19 =	simm.s32 @p0 $0x0  }
0xaf: {  	[tilespmem:s19], [sflag:$0x1] =	stream.linear.gather @p0 [hbm4b:s5+s19], $0xAE0, $0x38;
	[tilespmem:$0x3180] =	vst v63  }
0xb0: {  	s20 =	simm.s32 @p0 $0xC80  }
0xb1: {  	[tilespmem:s20], [sflag:$0x2] =	stream.linear.gather @p0 [hbm4b:s6+s19], $0xAE0, $0x38;
	[tilespmem:$0x3180] =	vst v63  }
0xb2: {  	s19 =	simm.s32 @!p0 $0x0  }
0xb3: {  	[tilespmem:s19], [sflag:$0x1] =	stream.linear.gather @!p0 [hbm4b:s3+s19], $0xC40, $0x38;
	[tilespmem:$0x3180] =	vst v63  }
0xb4: {  	s20 =	simm.s32 @!p0 $0xC80  }
0xb5: {  	[tilespmem:s20], [sflag:$0x2] =	stream.linear.gather @!p0 [hbm4b:s4+s19], $0xC40, $0x38;
	[tilespmem:$0x3180] =	vst v63  }
0xb6: {  	s19 =	simm.s32 $0x1940  }
0xb7: {  	[tilespmem:s19+$0xFFFFFFC0] =	vst v0  }
0xb8: {  	[tilespmem:s19+$0x30] =	vst v0  }
0xb9: {  	[tilespmem:s19+$0x20] =	vst v0  }
0xba: {  	[tilespmem:s19+$0x10] =	vst v0  }
0xbb: {  	[tilespmem:s19+$0x0] =	vst v0  }
0xbc: {  	[tilespmem:s19+$0xFFFFFFF0] =	vst v0  }
0xbd: {  	s20 =	simm.s32 $0x0;
	[tilespmem:s19+$0xFFFFFFE0] =	vst v0  }
.LBB2_2:
0xbe: {  	s20 =	sadd.s32 $0x8, s20;
	[tilespmem:s19+$0xFFFFFFD0] =	vst v0;
	s19 =	sadd.s32 $0x80, s19  }
0xbf: {  	[tilespmem:s19+$0xFFFFFFC0] =	vst v0;
	p1 =	slt.u32 s20, $0x78  }
0xc0: {  	[tilespmem:s19+$0x30] =	vst v0  }
.Ltmp2:
0xc1: {  	[tilespmem:s19+$0x20] =	vst v0;
	(pc) =	sbr.rel @p1 .LBB2_2-.Ltmp2, $4  }
0xc2: {  	[tilespmem:s19+$0x10] =	vst v0  }
0xc3: {  	[tilespmem:s19+$0x0] =	vst v0  }
0xc4: {  	[tilespmem:s19+$0xFFFFFFF0] =	vst v0  }
0xc5: {  	[tilespmem:s19+$0xFFFFFFE0] =	vst v0  }
0xc6: {  	[tilespmem:s19+$0xFFFFFFD0] =	vst v0;
	s19 =	simm.s32 @p0 $0x1  }
0xc7: {  	_ =	swait.ge @p0 [sflag:s19], $0xAE0  }
0xc8: {  	[sflag:s19] =	ssyncset.done @p0 $0x0  }
0xc9: {  	[sflag:s19] =	ssyncadd.s32 @p0 $0xFFFFF520;
	s19 =	simm.s32 @p0 $0x2  }
0xca: {  	_ =	swait.ge @p0 [sflag:s19], $0xAE0  }
0xcb: {  	[sflag:s19] =	ssyncset.done @p0 $0x0  }
0xcc: {  	[sflag:s19] =	ssyncadd.s32 @p0 $0xFFFFF520;
	s19 =	simm.s32 @!p0 $0x1  }
0xcd: {  	_ =	swait.ge @!p0 [sflag:s19], $0xC40  }
0xce: {  	[sflag:s19] =	ssyncset.done @!p0 $0x0  }
0xcf: {  	[sflag:s19] =	ssyncadd.s32 @!p0 $0xFFFFF3C0;
	s19 =	simm.s32 @!p0 $0x2  }
0xd0: {  	_ =	swait.ge @!p0 [sflag:s19], $0xC40  }
0xd1: {  	s20 =	simm.s32 $0xCC0;
	[sflag:s19] =	ssyncset.done @!p0 $0x0  }
0xd2: {  	s21 =	simm.s32 $0x40;
	[sflag:s19] =	ssyncadd.s32 @!p0 $0xFFFFF3C0;
	s19 =	simm.s32 $0xFFFFFFF8  }
.LBB2_4:
0xd3: {  	v1 =	vld [tilespmem:s20+$0xFFFFFFC0];
	_ =	sdelay $0x2  }
0xd4: {  	v2 =	vld [tilespmem:s21+$0xFFFFFFC0];
	_ =	sdelay $0x4  }
0xd5: {  	[tilespmem:v1+s11+$0x0] =	vst.idx.add.f32.msk $0xffff, v2  }
0xd6: {  	v1 =	vld [tilespmem:s20+$0xFFFFFFD0];
	_ =	sdelay $0x2  }
0xd7: {  	v2 =	vld [tilespmem:s21+$0xFFFFFFD0];
	_ =	sdelay $0x4  }
0xd8: {  	[tilespmem:v1+s11+$0x0] =	vst.idx.add.f32.msk $0xffff, v2  }
0xd9: {  	v1 =	vld [tilespmem:s20+$0xFFFFFFE0];
	_ =	sdelay $0x2  }
0xda: {  	v2 =	vld [tilespmem:s21+$0xFFFFFFE0];
	_ =	sdelay $0x4  }
0xdb: {  	[tilespmem:v1+s11+$0x0] =	vst.idx.add.f32.msk $0xffff, v2  }
0xdc: {  	v1 =	vld [tilespmem:s20+$0xFFFFFFF0];
	_ =	sdelay $0x2  }
0xdd: {  	v2 =	vld [tilespmem:s21+$0xFFFFFFF0];
	_ =	sdelay $0x4  }
0xde: {  	[tilespmem:v1+s11+$0x0] =	vst.idx.add.f32.msk $0xffff, v2  }
0xdf: {  	v1 =	vld [tilespmem:s20+$0x0];
	_ =	sdelay $0x2  }
0xe0: {  	v2 =	vld [tilespmem:s21+$0x0];
	_ =	sdelay $0x4  }
0xe1: {  	[tilespmem:v1+s11+$0x0] =	vst.idx.add.f32.msk $0xffff, v2  }
0xe2: {  	v1 =	vld [tilespmem:s20+$0x10];
	_ =	sdelay $0x2  }
0xe3: {  	v2 =	vld [tilespmem:s21+$0x10];
	_ =	sdelay $0x4  }
0xe4: {  	[tilespmem:v1+s11+$0x0] =	vst.idx.add.f32.msk $0xffff, v2  }
0xe5: {  	v1 =	vld [tilespmem:s20+$0x20];
	_ =	sdelay $0x2  }
0xe6: {  	v2 =	vld [tilespmem:s21+$0x20];
	_ =	sdelay $0x4  }
0xe7: {  	[tilespmem:v1+s11+$0x0] =	vst.idx.add.f32.msk $0xffff, v2  }
0xe8: {  	v1 =	vld [tilespmem:s20+$0x30];
	_ =	sdelay $0x1  }
0xe9: {  	s19 =	sadd.s32 $0x8, s19  }
0xea: {  	p1 =	slt.u32 s19, $0xA0;
	v2 =	vld [tilespmem:s21+$0x30]  }
.Ltmp3:
0xeb: {  	_ = 	snop;
	(pc) =	sbr.rel @p1 .LBB2_4-.Ltmp3, $2  }
0xec: {  	_ =	sdelay $0x2  }
0xed: {  	s20 =	sadd.s32 $0x80, s20;
	s21 =	sadd.s32 $0x80, s21;
	[tilespmem:v1+s11+$0x0] =	vst.idx.add.f32.msk $0xffff, v2  }
0xee: {  	v1 =	vld [tilespmem:$0x1700];
	_ =	sdelay $0x2  }
0xef: {  	v2 =	vld [tilespmem:$0xA80];
	_ =	sdelay $0x4  }
0xf0: {  	[tilespmem:v1+s11+$0x0] =	vst.idx.add.f32.msk $0xffff, v2  }
0xf1: {  	v1 =	vld [tilespmem:$0x1710];
	_ =	sdelay $0x2  }
0xf2: {  	v2 =	vld [tilespmem:$0xA90];
	_ =	sdelay $0x4  }
0xf3: {  	[tilespmem:v1+s11+$0x0] =	vst.idx.add.f32.msk $0xffff, v2  }
0xf4: {  	v1 =	vld [tilespmem:$0x1720];
	_ =	sdelay $0x2  }
0xf5: {  	v2 =	vld [tilespmem:$0xAA0];
	_ =	sdelay $0x4  }
0xf6: {  	[tilespmem:v1+s11+$0x0] =	vst.idx.add.f32.msk $0xffff, v2  }
0xf7: {  	v1 =	vld [tilespmem:$0x1730];
	_ =	sdelay $0x2  }
0xf8: {  	v2 =	vld [tilespmem:$0xAB0];
	_ =	sdelay $0x4  }
0xf9: {  	[tilespmem:v1+s11+$0x0] =	vst.idx.add.f32.msk $0xffff, v2  }
0xfa: {  	v1 =	vld [tilespmem:$0x1740];
	_ =	sdelay $0x2  }
0xfb: {  	v2 =	vld [tilespmem:$0xAC0];
	_ =	sdelay $0x4  }
0xfc: {  	[tilespmem:v1+s11+$0x0] =	vst.idx.add.f32.msk $0xffff, v2  }
0xfd: {  	v1 =	vld [tilespmem:$0x1750];
	_ =	sdelay $0x2  }
0xfe: {  	v2 =	vld [tilespmem:$0xAD0]  }
.Ltmp4:
0xff: {  	_ = 	snop;
	(pc) =	sbr.rel @p0 .LBB2_7-.Ltmp4, $2  }
0x100: {  	_ =	sdelay $0x2  }
0x101: {  	[tilespmem:v1+s11+$0x0] =	vst.idx.add.f32.msk $0xffff, v2  }
0x102: {  	v1 =	vld [tilespmem:$0x1760];
	_ =	sdelay $0x2  }
0x103: {  	v2 =	vld [tilespmem:$0xAE0];
	_ =	sdelay $0x4  }
0x104: {  	[tilespmem:v1+s11+$0x0] =	vst.idx.add.f32.msk $0xffff, v2  }
0x105: {  	v1 =	vld [tilespmem:$0x1770];
	_ =	sdelay $0x2  }
0x106: {  	v2 =	vld [tilespmem:$0xAF0];
	_ =	sdelay $0x4  }
0x107: {  	[tilespmem:v1+s11+$0x0] =	vst.idx.add.f32.msk $0xffff, v2  }
0x108: {  	v1 =	vld [tilespmem:$0x1780];
	_ =	sdelay $0x2  }
0x109: {  	v2 =	vld [tilespmem:$0xB00];
	_ =	sdelay $0x4  }
0x10a: {  	[tilespmem:v1+s11+$0x0] =	vst.idx.add.f32.msk $0xffff, v2  }
0x10b: {  	v1 =	vld [tilespmem:$0x1790];
	_ =	sdelay $0x2  }
0x10c: {  	v2 =	vld [tilespmem:$0xB10];
	_ =	sdelay $0x4  }
0x10d: {  	[tilespmem:v1+s11+$0x0] =	vst.idx.add.f32.msk $0xffff, v2  }
0x10e: {  	v1 =	vld [tilespmem:$0x17A0];
	_ =	sdelay $0x2  }
0x10f: {  	v2 =	vld [tilespmem:$0xB20];
	_ =	sdelay $0x4  }
0x110: {  	[tilespmem:v1+s11+$0x0] =	vst.idx.add.f32.msk $0xffff, v2  }
0x111: {  	v1 =	vld [tilespmem:$0x17B0];
	_ =	sdelay $0x2  }
0x112: {  	v2 =	vld [tilespmem:$0xB30];
	_ =	sdelay $0x4  }
0x113: {  	[tilespmem:v1+s11+$0x0] =	vst.idx.add.f32.msk $0xffff, v2  }
0x114: {  	v1 =	vld [tilespmem:$0x17C0];
	_ =	sdelay $0x2  }
0x115: {  	v2 =	vld [tilespmem:$0xB40];
	_ =	sdelay $0x4  }
0x116: {  	[tilespmem:v1+s11+$0x0] =	vst.idx.add.f32.msk $0xffff, v2  }
0x117: {  	v1 =	vld [tilespmem:$0x17D0];
	_ =	sdelay $0x2  }
0x118: {  	v2 =	vld [tilespmem:$0xB50];
	_ =	sdelay $0x4  }
0x119: {  	[tilespmem:v1+s11+$0x0] =	vst.idx.add.f32.msk $0xffff, v2  }
0x11a: {  	v1 =	vld [tilespmem:$0x17E0];
	_ =	sdelay $0x2  }
0x11b: {  	v2 =	vld [tilespmem:$0xB60];
	_ =	sdelay $0x4  }
0x11c: {  	[tilespmem:v1+s11+$0x0] =	vst.idx.add.f32.msk $0xffff, v2  }
0x11d: {  	v1 =	vld [tilespmem:$0x17F0];
	_ =	sdelay $0x2  }
0x11e: {  	v2 =	vld [tilespmem:$0xB70];
	_ =	sdelay $0x4  }
0x11f: {  	[tilespmem:v1+s11+$0x0] =	vst.idx.add.f32.msk $0xffff, v2  }
0x120: {  	v1 =	vld [tilespmem:$0x1800];
	_ =	sdelay $0x2  }
0x121: {  	v2 =	vld [tilespmem:$0xB80];
	_ =	sdelay $0x4  }
0x122: {  	[tilespmem:v1+s11+$0x0] =	vst.idx.add.f32.msk $0xffff, v2  }
0x123: {  	v1 =	vld [tilespmem:$0x1810];
	_ =	sdelay $0x2  }
0x124: {  	v2 =	vld [tilespmem:$0xB90];
	_ =	sdelay $0x4  }
0x125: {  	[tilespmem:v1+s11+$0x0] =	vst.idx.add.f32.msk $0xffff, v2  }
0x126: {  	v1 =	vld [tilespmem:$0x1820];
	_ =	sdelay $0x2  }
0x127: {  	v2 =	vld [tilespmem:$0xBA0];
	_ =	sdelay $0x4  }
0x128: {  	[tilespmem:v1+s11+$0x0] =	vst.idx.add.f32.msk $0xffff, v2  }
0x129: {  	v1 =	vld [tilespmem:$0x1830];
	_ =	sdelay $0x2  }
0x12a: {  	v2 =	vld [tilespmem:$0xBB0];
	_ =	sdelay $0x4  }
0x12b: {  	[tilespmem:v1+s11+$0x0] =	vst.idx.add.f32.msk $0xffff, v2  }
0x12c: {  	v1 =	vld [tilespmem:$0x1840];
	_ =	sdelay $0x2  }
0x12d: {  	v2 =	vld [tilespmem:$0xBC0];
	_ =	sdelay $0x4  }
0x12e: {  	[tilespmem:v1+s11+$0x0] =	vst.idx.add.f32.msk $0xffff, v2  }
0x12f: {  	v1 =	vld [tilespmem:$0x1850];
	_ =	sdelay $0x2  }
0x130: {  	v2 =	vld [tilespmem:$0xBD0];
	_ =	sdelay $0x4  }
0x131: {  	[tilespmem:v1+s11+$0x0] =	vst.idx.add.f32.msk $0xffff, v2  }
0x132: {  	v1 =	vld [tilespmem:$0x1860];
	_ =	sdelay $0x2  }
0x133: {  	v2 =	vld [tilespmem:$0xBE0];
	_ =	sdelay $0x4  }
0x134: {  	[tilespmem:v1+s11+$0x0] =	vst.idx.add.f32.msk $0xffff, v2  }
0x135: {  	v1 =	vld [tilespmem:$0x1870];
	_ =	sdelay $0x2  }
0x136: {  	v2 =	vld [tilespmem:$0xBF0];
	_ =	sdelay $0x4  }
0x137: {  	[tilespmem:v1+s11+$0x0] =	vst.idx.add.f32.msk $0xffff, v2  }
0x138: {  	v1 =	vld [tilespmem:$0x1880];
	_ =	sdelay $0x2  }
0x139: {  	v2 =	vld [tilespmem:$0xC00];
	_ =	sdelay $0x4  }
0x13a: {  	[tilespmem:v1+s11+$0x0] =	vst.idx.add.f32.msk $0xffff, v2  }
0x13b: {  	v1 =	vld [tilespmem:$0x1890];
	_ =	sdelay $0x2  }
0x13c: {  	v2 =	vld [tilespmem:$0xC10];
	_ =	sdelay $0x4  }
0x13d: {  	[tilespmem:v1+s11+$0x0] =	vst.idx.add.f32.msk $0xffff, v2  }
0x13e: {  	v1 =	vld [tilespmem:$0x18A0];
	_ =	sdelay $0x2  }
0x13f: {  	v2 =	vld [tilespmem:$0xC20];
	_ =	sdelay $0x4  }
0x140: {  	[tilespmem:v1+s11+$0x0] =	vst.idx.add.f32.msk $0xffff, v2  }
0x141: {  	v1 =	vld [tilespmem:$0x18B0];
	_ =	sdelay $0x2  }
0x142: {  	v2 =	vld [tilespmem:$0xC30]  }
.Ltmp5:
0x143: {  	_ = 	snop;
	(pc) =	sbr.rel .LBB2_7-.Ltmp5, $2  }
0x144: {  	_ =	sdelay $0x2  }
0x145: {  	[tilespmem:v1+s11+$0x0] =	vst.idx.add.f32.msk $0xffff, v2  }
.LBB2_8:
0x146: {  	_ =	sfence.sel $0x180000  }
0x147: {  	[bflag:$0x0] =	sbarrier.arrive $0xFFFF  }
0x148: {  	p0 =	sne.s32 s0, $0x0;
	_ =	strace $0x90000047  }
0x149: {  	s0 =	sadd.s32 @!p0 $0x100000, s1;
	[bflag:$0x2] =	sbarrier.arrive $0xFFFF  }
0x14a: {  	[sflag:s0] =	ssyncadd.tile.s32 @!p0 $0x1;
	_ =	shalt  }
.Lfunc_end2:
_tile_overlayer_lowered:
.L_overlay_start_2:
0x14b: {  	(tag) =	ssettag $0x2  }
0x14c: {  	s0 =	rddreg [dreg:$0x0];
	s2 =	stileid.u32  }
0x14d: {  	s1 =	rddreg [dreg:$0x1];
	p0 =	sne.s32 s2, $0x0  }
0x14e: {  	s3 =	rddreg [dreg:$0x2];
	[bflag:$0x3] =	sbarrier.arrive $0xFFFF;
	s2 =	simm.s32 @!p0 $0x1C03  }
0x14f: {  	[timem:s3], [sflag:s2] =	dma.local @!p0 [hbm:s0], s1  }
0x150: {  	s0 =	simm.s32 @!p0 $0x3  }
0x151: {  	_ =	swait.ge @!p0 [sflag:s0], s1  }
0x152: {  	s1 =	ssub.s32 @!p0 $0x0, s1;
	[sflag:s0] =	ssyncset.done @!p0 $0x0  }
0x153: {  	[sflag:s0] =	ssyncadd.s32 @!p0 s1  }
0x154: {  	[bflag:$0x3] =	sbarrier.arrive $0xFFFF  }
0x155: {  	_ =	shalt  }

</sc_bundles>
